<compile_context>
chip_gen: v7x
topology: tpu7x:2x2x1
jax: 0.10.2.dev20260603
libtpu: 0.0.44.dev20260713+nightly
codegen_flags: <defaults>
</compile_context>

<pallas_src>
import jax
import jax.numpy as jnp
from jax import lax
from jax.experimental import pallas as pl
from jax.experimental.pallas import tpu as pltpu
from jax.experimental.pallas import tpu_sc as plsc

N = 10000
D = 128
E = 320000

NP = 10240
SL = 1792
NSL = 6
RPT = SL // 16
C = 128
NCHUNK = 160
PER_W = C * NCHUNK
EPAD = 16 * PER_W
EROWS = EPAD // 128
BN = 1024



def _prep_body(src_r, dst_r, hop_r, gidx1_r, sidx0_r, sidx1_r):
    src = src_r[...]
    dst = dst_r[...]
    hop = hop_r[...]
    gidx1_r[...] = src + jnp.where(hop == 2, NP, 0)
    act0 = hop == 1
    act1 = hop >= 1
    trash = SL + lax.broadcasted_iota(jnp.int32, (EROWS, 128), 1)
    for k in range(NSL):
        loc = dst - k * SL
        in_k = (dst >= k * SL) & (dst < (k + 1) * SL)
        sidx0_r[k, ...] = jnp.where(act0 & in_k, loc, trash)
        sidx1_r[k, ...] = jnp.where(act1 & in_k, loc, trash)


def _mm2_body(x_r, w10_r, b10_r, w21_r, b21_r, h0_r, h2_r):
    xb = x_r[...]
    h0_r[...] = jnp.dot(xb, w10_r[...], preferred_element_type=jnp.float32) + b10_r[...]
    h2_r[...] = jnp.dot(xb, w21_r[...], preferred_element_type=jnp.float32) + b21_r[...]


def _mid_body(x_r, a_r, w11_r, b11_r, x1_r, h1_r):
    cur = x_r[...] + jnp.maximum(a_r[...], 0.0)
    nrm = jnp.maximum(jnp.sqrt(jnp.sum(cur * cur, axis=1, keepdims=True)), 1e-12)
    x1 = cur / nrm
    x1_r[...] = x1
    h1_r[...] = jnp.dot(x1, w11_r[...], preferred_element_type=jnp.float32) + b11_r[...]


def _fin_body(x1_r, a_r, out_r):
    cur = x1_r[...] + jnp.maximum(a_r[...], 0.0)
    nrm = jnp.maximum(jnp.sqrt(jnp.sum(cur * cur, axis=1, keepdims=True)), 1e-12)
    out_r[...] = cur / nrm



def _sc_sweep(tab, gidx, sidx, zeros, out,
              g2, s2, r0b, r1b, wb, acc,
              gs0, gs1, ss0, ss1):
    c = lax.axis_index("c")
    s = lax.axis_index("s")
    rows = (r0b, r1b)
    gsem = (gs0, gs1)
    ssem = (ss0, ss1)
    w0 = pl.multiple_of(s * NCHUNK, 8)
    r0 = pl.multiple_of(s * RPT, 8)
    pltpu.sync_copy(gidx.at[pl.ds(w0, NCHUNK)], g2)

    def fire_gather(j, b):
        pltpu.async_copy(tab.at[g2.at[j]], rows[b], gsem[b])

    def wait_gather(j, b):
        pltpu.make_async_copy(tab.at[g2.at[j]], rows[b], gsem[b]).wait()

    def fire_scatter(j, b):
        pltpu.async_copy(rows[b], acc.at[s2.at[j]], ssem[b], add=True)

    def wait_scatter(j, b):
        pltpu.make_async_copy(rows[b], acc.at[s2.at[j]], ssem[b]).wait()

    def one_pass(p, carry):
        sl = 2 * p + c
        pltpu.sync_copy(
            sidx.at[pl.ds(pl.multiple_of(sl * EROWS + w0, 8), NCHUNK)], s2)
        pltpu.sync_copy(zeros, wb)
        pltpu.sync_copy(wb, acc.at[pl.ds(r0, RPT)])
        plsc.subcore_barrier()

        fire_gather(0, 0)
        wait_gather(0, 0)
        fire_scatter(0, 0)
        fire_gather(1, 1)

        def duo(i, carry):
            for u in range(2):
                j = 1 + 2 * i + u
                b = (1 + u) % 2
                wait_gather(j, b)
                fire_scatter(j, b)
                wait_scatter(j - 1, 1 - b)
                fire_gather(j + 1, 1 - b)
            return carry

        lax.fori_loop(0, (NCHUNK - 2) // 2, duo, 0)
        j = NCHUNK - 1
        wait_gather(j, j % 2)
        fire_scatter(j, j % 2)
        wait_scatter(j - 1, (j - 1) % 2)
        wait_scatter(j, j % 2)

        plsc.subcore_barrier()
        pltpu.sync_copy(acc.at[pl.ds(r0, RPT)], wb)
        pltpu.sync_copy(
            wb, out.at[pl.ds(pl.multiple_of(sl * SL + r0, 8), RPT)])
        return carry

    lax.fori_loop(0, 3, one_pass, 0)


def _make_sc_sweep():
    mesh = plsc.VectorSubcoreMesh(core_axis_name="c", subcore_axis_name="s")
    return pl.kernel(
        _sc_sweep,
        out_type=jax.ShapeDtypeStruct((NSL * SL, D), jnp.float32),
        mesh=mesh,
        name="sc_edge_sweep",
        scratch_types=[
            pltpu.VMEM((NCHUNK, C), jnp.int32),
            pltpu.VMEM((NCHUNK, C), jnp.int32),
            pltpu.VMEM((C, D), jnp.float32),
            pltpu.VMEM((C, D), jnp.float32),
            pltpu.VMEM((RPT, D), jnp.float32),
            pltpu.VMEM_SHARED((SL + 128, D), jnp.float32),
            pltpu.SemaphoreType.DMA,
            pltpu.SemaphoreType.DMA,
            pltpu.SemaphoreType.DMA,
            pltpu.SemaphoreType.DMA,
        ],
    )



def kernel(x, edge_index, edge_attr, W_k1_t0, b_k1_t0, W_k1_t1, b_k1_t1,
           W_k2_t1, b_k2_t1):
    f32 = jnp.float32

    xp = jnp.zeros((NP, D), f32).at[:N].set(x)
    src = jnp.zeros((EPAD,), jnp.int32).at[:E].set(edge_index[0]).reshape(EROWS, 128)
    dst = jnp.zeros((EPAD,), jnp.int32).at[:E].set(edge_index[1]).reshape(EROWS, 128)
    hop = jnp.zeros((EPAD,), jnp.int32).at[:E].set(edge_attr[:, 0]).reshape(EROWS, 128)
    b10 = b_k1_t0.reshape(1, D)
    b11 = b_k1_t1.reshape(1, D)
    b21 = b_k2_t1.reshape(1, D)
    zeros_wb = jnp.zeros((RPT, D), f32)

    gidx1, sidx0, sidx1 = pl.pallas_call(
        _prep_body,
        in_specs=[pl.BlockSpec((EROWS, 128), lambda: (0, 0))] * 3,
        out_specs=[
            pl.BlockSpec((EROWS, 128), lambda: (0, 0)),
            pl.BlockSpec((NSL, EROWS, 128), lambda: (0, 0, 0)),
            pl.BlockSpec((NSL, EROWS, 128), lambda: (0, 0, 0)),
        ],
        out_shape=[
            jax.ShapeDtypeStruct((EROWS, 128), jnp.int32),
            jax.ShapeDtypeStruct((NSL, EROWS, 128), jnp.int32),
            jax.ShapeDtypeStruct((NSL, EROWS, 128), jnp.int32),
        ],
    )(src, dst, hop)

    nb = NP // BN
    full = pl.BlockSpec((D, D), lambda i: (0, 0))
    brow = pl.BlockSpec((1, D), lambda i: (0, 0))
    blk = pl.BlockSpec((BN, D), lambda i: (i, 0))
    h0, h2 = pl.pallas_call(
        _mm2_body,
        grid=(nb,),
        in_specs=[blk, full, brow, full, brow],
        out_specs=[blk, blk],
        out_shape=[jax.ShapeDtypeStruct((NP, D), f32)] * 2,
    )(xp, W_k1_t0, b10, W_k2_t1, b21)

    sweep = _make_sc_sweep()

    tab0 = jnp.concatenate([h0, h2], axis=0)
    acc0 = sweep(tab0, src, sidx0.reshape(NSL * EROWS, 128), zeros_wb)

    x1, h1 = pl.pallas_call(
        _mid_body,
        grid=(nb,),
        in_specs=[blk, blk, full, brow],
        out_specs=[blk, blk],
        out_shape=[jax.ShapeDtypeStruct((NP, D), f32)] * 2,
    )(xp, acc0, W_k1_t1, b11)

    tab1 = jnp.concatenate([h1, h2], axis=0)
    acc1 = sweep(tab1, gidx1, sidx1.reshape(NSL * EROWS, 128), zeros_wb)

    out = pl.pallas_call(
        _fin_body,
        grid=(nb,),
        in_specs=[blk, blk],
        out_specs=blk,
        out_shape=jax.ShapeDtypeStruct((NP, D), f32),
    )(x1, acc1)

    return out[:N]

# --- scband reference (transcript-rebuilt; emitter-appended) ---
"""Pipeline reference for scband-relational-delay-gnnstage-v4-53463752901293 (READ-ONLY COPY).

The authoritative reference and input builder live on the scoring server;
editing this copy changes nothing except your own understanding.
"""

import jax, jax.numpy as jnp
import numpy as np

N = 10000
E = 320000
D = 128
NUM_LAYERS = 2
RBAR = 1


def _gnn_layer(x_in, A, W, b, mask):
    # GNNLayer(dim_in, dim_out): linear transform then scatter-add aggregation dst <- src
    h = x_in @ W + b
    src = A[0]
    dst = A[1]
    contrib = jnp.where(mask[:, None], h[src], jnp.zeros((), dtype=h.dtype))
    return jnp.zeros((x_in.shape[0], W.shape[1]), dtype=h.dtype).at[dst].add(contrib)


def _forward(x, edge_index, edge_attr, params):
    # A(k): edges whose first edge_attr column (hop label) == k
    hop = edge_attr[:, 0]
    masks = {k: hop == k for k in range(1, NUM_LAYERS + 1)}
    xs = []
    cur = x
    for t in range(NUM_LAYERS):
        xs.append(cur)
        acc = jnp.zeros_like(xs[t])
        for k in range(1, t + 2):
            delay = max(k - RBAR, 0)  # cfg.rbar_v2 = False, rbar = 1
            W, b = params[(k, t)]
            acc = acc + _gnn_layer(xs[t - delay], edge_index, W, b, masks[k])
        cur = xs[t] + jax.nn.relu(acc)
        # cfg.gnn.l2norm = True -> F.normalize(p=2, dim=-1)
        nrm = jnp.maximum(jnp.linalg.norm(cur, axis=-1, keepdims=True), 1e-12)
        cur = cur / nrm
    return cur


def setup_inputs(seed: int = 0):
    key = jax.random.key(seed)
    ks = jax.random.split(key, 8)
    x = jax.random.normal(ks[0], (N, D), dtype=jnp.float32)
    edge_index = jax.random.randint(ks[1], (2, E), 0, N, dtype=jnp.int32)
    edge_attr = jax.random.randint(ks[2], (E, 1), 0, 3, dtype=jnp.int32)

    def w(k):
        return jax.random.normal(k, (D, D), dtype=jnp.float32) * (1.0 / np.sqrt(D))

    return {
        "x": x,
        "edge_index": edge_index,
        "edge_attr": edge_attr,
        "W_k1_t0": w(ks[3]), "b_k1_t0": jnp.zeros((D,), jnp.float32),
        "W_k1_t1": w(ks[4]), "b_k1_t1": jnp.zeros((D,), jnp.float32),
        "W_k2_t1": w(ks[5]), "b_k2_t1": jnp.zeros((D,), jnp.float32),
    }


def reference(x, edge_index, edge_attr, W_k1_t0, b_k1_t0, W_k1_t1, b_k1_t1, W_k2_t1, b_k2_t1):
    params = {
        (1, 0): (W_k1_t0, b_k1_t0),
        (1, 1): (W_k1_t1, b_k1_t1),
        (2, 1): (W_k2_t1, b_k2_t1),
    }
    return _forward(x, edge_index, edge_attr, params)

if __name__ == "__main__":
    import jax
    _d = setup_inputs()
    print(jax.jit(kernel)(*tuple(_d.values())))

</pallas_src>

<mosaic_0001>
#map = affine_map<(d0, d1) -> (0, 0)>
module attributes {stable_mosaic.version = 14 : i64} {
  func.func @sc_edge_sweep(%arg0: i32, %arg1: i32, %arg2: memref<20480x128xf32, #tpu.memory_space<hbm>>, %arg3: memref<2560x128xi32, #tpu.memory_space<hbm>>, %arg4: memref<15360x128xi32, #tpu.memory_space<hbm>>, %arg5: memref<112x128xf32, #tpu.memory_space<hbm>>, %arg6: memref<10752x128xf32, #tpu.memory_space<hbm>>, %arg7: memref<160x128xi32, #tpu.memory_space<vmem>>, %arg8: memref<160x128xi32, #tpu.memory_space<vmem>>, %arg9: memref<128x128xf32, #tpu.memory_space<vmem>>, %arg10: memref<128x128xf32, #tpu.memory_space<vmem>>, %arg11: memref<112x128xf32, #tpu.memory_space<vmem>>, %arg12: memref<1920x128xf32, #tpu.memory_space<vmem_shared>>, %arg13: memref<!tpu.dma_semaphore, #tpu.memory_space<semaphore_mem>>, %arg14: memref<!tpu.dma_semaphore, #tpu.memory_space<semaphore_mem>>, %arg15: memref<!tpu.dma_semaphore, #tpu.memory_space<semaphore_mem>>, %arg16: memref<!tpu.dma_semaphore, #tpu.memory_space<semaphore_mem>>) attributes {dimension_semantics = [#tpu.dimension_semantics<core_parallel>, #tpu.dimension_semantics<subcore_parallel>], iteration_bounds = array<i64: 2, 16>, scalar_prefetch = 0 : i64, scratch_operands = 10 : i64, tpu.core_type = #tpu.core_type<sc_vector_subcore>, window_params = [{transform_indices = #map}, {transform_indices = #map}, {transform_indices = #map}, {transform_indices = #map}, {transform_indices = #map}]} {
    %mul3A = arith.constant 160 : i32
    %mul3A_0 = arith.muli %arg1, %mul3A : i32
    %multiple_of3A = tpu.assume_multiple %mul3A_0, 8 : i32
    %mul3A_1 = arith.constant 112 : i32
    %mul3A_2 = arith.muli %arg1, %mul3A_1 : i32
    %multiple_of3A_3 = tpu.assume_multiple %mul3A_2, 8 : i32
    "tpu.region"() ({
      %run_scoped3A = tpu.sem_alloc : memref<!tpu.dma_semaphore, #tpu.memory_space<semaphore_mem>>
      %dma_start3A = arith.constant 0 : i32
      %dma_start3A_9 = tpu.memref_slice %arg3[%multiple_of3A, %dma_start3A] : memref<2560x128xi32, #tpu.memory_space<hbm>> -> memref<160x128xi32, #tpu.memory_space<hbm>>
      %dma_start3A_10 = arith.constant 0 : i32
      %dma_start3A_11 = tpu.memref_slice %arg3[%multiple_of3A, %dma_start3A_10] : memref<2560x128xi32, #tpu.memory_space<hbm>> -> memref<160x128xi32, #tpu.memory_space<hbm>>
      tpu.enqueue_dma source(%dma_start3A_11 : memref<160x128xi32, #tpu.memory_space<hbm>>) target(%arg7 : memref<160x128xi32, #tpu.memory_space<vmem>>) target_semaphore(%run_scoped3A : memref<!tpu.dma_semaphore, #tpu.memory_space<semaphore_mem>>)
      %dma_wait3A = arith.constant 0 : i32
      %dma_wait3A_12 = tpu.memref_slice %arg3[%multiple_of3A, %dma_wait3A] : memref<2560x128xi32, #tpu.memory_space<hbm>> -> memref<160x128xi32, #tpu.memory_space<hbm>>
      %dma_wait3A_13 = arith.constant 0 : i32
      %dma_wait3A_14 = tpu.memref_slice %arg3[%multiple_of3A, %dma_wait3A_13] : memref<2560x128xi32, #tpu.memory_space<hbm>> -> memref<160x128xi32, #tpu.memory_space<hbm>>
      tpu.wait_dma2 semaphore(%run_scoped3A : memref<!tpu.dma_semaphore, #tpu.memory_space<semaphore_mem>>) src(%dma_wait3A_14 : memref<160x128xi32, #tpu.memory_space<hbm>>) dst(%arg7 : memref<160x128xi32, #tpu.memory_space<vmem>>)
      tpu.yield
    }) : () -> ()
    %scan3A = arith.constant 0 : i32
    %scan3A_4 = arith.constant 0 : i32
    %scan3A_5 = arith.constant 3 : i32
    %scan3A_6 = arith.addi %scan3A_4, %scan3A_5 : i32
    %scan3A_7 = arith.constant 1 : i32
    scf.for %scan3A_9 = %scan3A_4 to %scan3A_6 step %scan3A_7  : i32 {
      %mul3A_10 = arith.constant 2 : i32
      %mul3A_11 = arith.muli %mul3A_10, %scan3A_9 : i32
      %add3A = arith.addi %mul3A_11, %arg0 : i32
      %mul3A_12 = arith.constant 2560 : i32
      %mul3A_13 = arith.muli %add3A, %mul3A_12 : i32
      %add3A_14 = arith.addi %mul3A_13, %multiple_of3A : i32
      %multiple_of3A_15 = tpu.assume_multiple %add3A_14, 8 : i32
      "tpu.region"() ({
        %run_scoped3A = tpu.sem_alloc : memref<!tpu.dma_semaphore, #tpu.memory_space<semaphore_mem>>
        %dma_start3A_81 = arith.constant 0 : i32
        %dma_start3A_82 = tpu.memref_slice %arg4[%multiple_of3A_15, %dma_start3A_81] : memref<15360x128xi32, #tpu.memory_space<hbm>> -> memref<160x128xi32, #tpu.memory_space<hbm>>
        %dma_start3A_83 = arith.constant 0 : i32
        %dma_start3A_84 = tpu.memref_slice %arg4[%multiple_of3A_15, %dma_start3A_83] : memref<15360x128xi32, #tpu.memory_space<hbm>> -> memref<160x128xi32, #tpu.memory_space<hbm>>
        tpu.enqueue_dma source(%dma_start3A_84 : memref<160x128xi32, #tpu.memory_space<hbm>>) target(%arg8 : memref<160x128xi32, #tpu.memory_space<vmem>>) target_semaphore(%run_scoped3A : memref<!tpu.dma_semaphore, #tpu.memory_space<semaphore_mem>>)
        %dma_wait3A_85 = arith.constant 0 : i32
        %dma_wait3A_86 = tpu.memref_slice %arg4[%multiple_of3A_15, %dma_wait3A_85] : memref<15360x128xi32, #tpu.memory_space<hbm>> -> memref<160x128xi32, #tpu.memory_space<hbm>>
        %dma_wait3A_87 = arith.constant 0 : i32
        %dma_wait3A_88 = tpu.memref_slice %arg4[%multiple_of3A_15, %dma_wait3A_87] : memref<15360x128xi32, #tpu.memory_space<hbm>> -> memref<160x128xi32, #tpu.memory_space<hbm>>
        tpu.wait_dma2 semaphore(%run_scoped3A : memref<!tpu.dma_semaphore, #tpu.memory_space<semaphore_mem>>) src(%dma_wait3A_88 : memref<160x128xi32, #tpu.memory_space<hbm>>) dst(%arg8 : memref<160x128xi32, #tpu.memory_space<vmem>>)
        tpu.yield
      }) : () -> ()
      "tpu.region"() ({
        %run_scoped3A = tpu.sem_alloc : memref<!tpu.dma_semaphore, #tpu.memory_space<semaphore_mem>>
        tpu.enqueue_dma source(%arg5 : memref<112x128xf32, #tpu.memory_space<hbm>>) target(%arg11 : memref<112x128xf32, #tpu.memory_space<vmem>>) target_semaphore(%run_scoped3A : memref<!tpu.dma_semaphore, #tpu.memory_space<semaphore_mem>>)
        tpu.wait_dma2 semaphore(%run_scoped3A : memref<!tpu.dma_semaphore, #tpu.memory_space<semaphore_mem>>) src(%arg5 : memref<112x128xf32, #tpu.memory_space<hbm>>) dst(%arg11 : memref<112x128xf32, #tpu.memory_space<vmem>>)
        tpu.yield
      }) : () -> ()
      "tpu.region"() ({
        %run_scoped3A = tpu.sem_alloc : memref<!tpu.dma_semaphore, #tpu.memory_space<semaphore_mem>>
        %dma_start3A_81 = arith.constant 0 : i32
        %dma_start3A_82 = tpu.memref_slice %arg12[%multiple_of3A_3, %dma_start3A_81] : memref<1920x128xf32, #tpu.memory_space<vmem_shared>> -> memref<112x128xf32, #tpu.memory_space<vmem_shared>>
        %dma_start3A_83 = arith.constant 0 : i32
        %dma_start3A_84 = tpu.memref_slice %arg12[%multiple_of3A_3, %dma_start3A_83] : memref<1920x128xf32, #tpu.memory_space<vmem_shared>> -> memref<112x128xf32, #tpu.memory_space<vmem_shared>>
        tpu.enqueue_dma source(%arg11 : memref<112x128xf32, #tpu.memory_space<vmem>>) target(%dma_start3A_84 : memref<112x128xf32, #tpu.memory_space<vmem_shared>>) target_semaphore(%run_scoped3A : memref<!tpu.dma_semaphore, #tpu.memory_space<semaphore_mem>>)
        %dma_wait3A_85 = arith.constant 0 : i32
        %dma_wait3A_86 = tpu.memref_slice %arg12[%multiple_of3A_3, %dma_wait3A_85] : memref<1920x128xf32, #tpu.memory_space<vmem_shared>> -> memref<112x128xf32, #tpu.memory_space<vmem_shared>>
        %dma_wait3A_87 = arith.constant 0 : i32
        %dma_wait3A_88 = tpu.memref_slice %arg12[%multiple_of3A_3, %dma_wait3A_87] : memref<1920x128xf32, #tpu.memory_space<vmem_shared>> -> memref<112x128xf32, #tpu.memory_space<vmem_shared>>
        tpu.wait_dma2 semaphore(%run_scoped3A : memref<!tpu.dma_semaphore, #tpu.memory_space<semaphore_mem>>) src(%arg11 : memref<112x128xf32, #tpu.memory_space<vmem>>) dst(%dma_wait3A_88 : memref<112x128xf32, #tpu.memory_space<vmem_shared>>)
        tpu.yield
      }) : () -> ()
      %barrier3A = arith.constant 0 : index
      tpu.barrier barrier_id(%barrier3A)
      %dma_start3A = arith.constant 0 : i32
      %dma_start3A_16 = arith.constant 0 : i32
      %dma_start3A_17 = tpu.memref_slice %arg7[%dma_start3A, %dma_start3A_16] : memref<160x128xi32, #tpu.memory_space<vmem>> -> memref<1x128xi32, #tpu.memory_space<vmem>>
      %dma_start3A_18 = tpu.memref_squeeze %dma_start3A_17 : memref<1x128xi32, #tpu.memory_space<vmem>> -> memref<128xi32, #tpu.memory_space<vmem>>
      %dma_start3A_19 = arith.constant 0 : i32
      %dma_start3A_20 = arith.constant 0 : i32
      %dma_start3A_21 = tpu.memref_slice %arg2[%dma_start3A_19, %dma_start3A_20] : memref<20480x128xf32, #tpu.memory_space<hbm>> -> memref<20480x128xf32, #tpu.memory_space<hbm>>
      tpu.enqueue_indirect_dma source(%dma_start3A_21 : memref<20480x128xf32, #tpu.memory_space<hbm>>) target(%arg9 : memref<128x128xf32, #tpu.memory_space<vmem>>) offsets(%dma_start3A_18 : memref<128xi32, #tpu.memory_space<vmem>>) semaphore(%arg13 : memref<!tpu.dma_semaphore, #tpu.memory_space<semaphore_mem>>)
      %dma_wait3A = arith.constant 0 : i32
      %dma_wait3A_22 = arith.constant 0 : i32
      %dma_wait3A_23 = tpu.memref_slice %arg7[%dma_wait3A, %dma_wait3A_22] : memref<160x128xi32, #tpu.memory_space<vmem>> -> memref<1x128xi32, #tpu.memory_space<vmem>>
      %dma_wait3A_24 = tpu.memref_squeeze %dma_wait3A_23 : memref<1x128xi32, #tpu.memory_space<vmem>> -> memref<128xi32, #tpu.memory_space<vmem>>
      %dma_wait3A_25 = arith.constant 0 : i32
      %dma_wait3A_26 = arith.constant 0 : i32
      %dma_wait3A_27 = tpu.memref_slice %arg2[%dma_wait3A_25, %dma_wait3A_26] : memref<20480x128xf32, #tpu.memory_space<hbm>> -> memref<20480x128xf32, #tpu.memory_space<hbm>>
      tpu.wait_indirect_dma semaphore(%arg13 : memref<!tpu.dma_semaphore, #tpu.memory_space<semaphore_mem>>) src(%dma_wait3A_27 : memref<20480x128xf32, #tpu.memory_space<hbm>>) dst(%arg9 : memref<128x128xf32, #tpu.memory_space<vmem>>)
      %dma_start3A_28 = arith.constant 0 : i32
      %dma_start3A_29 = arith.constant 0 : i32
      %dma_start3A_30 = tpu.memref_slice %arg8[%dma_start3A_28, %dma_start3A_29] : memref<160x128xi32, #tpu.memory_space<vmem>> -> memref<1x128xi32, #tpu.memory_space<vmem>>
      %dma_start3A_31 = tpu.memref_squeeze %dma_start3A_30 : memref<1x128xi32, #tpu.memory_space<vmem>> -> memref<128xi32, #tpu.memory_space<vmem>>
      %dma_start3A_32 = arith.constant 0 : i32
      %dma_start3A_33 = arith.constant 0 : i32
      %dma_start3A_34 = tpu.memref_slice %arg12[%dma_start3A_32, %dma_start3A_33] : memref<1920x128xf32, #tpu.memory_space<vmem_shared>> -> memref<1920x128xf32, #tpu.memory_space<vmem_shared>>
      tpu.enqueue_indirect_dma source(%arg9 : memref<128x128xf32, #tpu.memory_space<vmem>>) target(%dma_start3A_34 : memref<1920x128xf32, #tpu.memory_space<vmem_shared>>) offsets(%dma_start3A_31 : memref<128xi32, #tpu.memory_space<vmem>>) semaphore(%arg15 : memref<!tpu.dma_semaphore, #tpu.memory_space<semaphore_mem>>) {add = true}
      %dma_start3A_35 = arith.constant 1 : i32
      %dma_start3A_36 = arith.constant 0 : i32
      %dma_start3A_37 = tpu.memref_slice %arg7[%dma_start3A_35, %dma_start3A_36] : memref<160x128xi32, #tpu.memory_space<vmem>> -> memref<1x128xi32, #tpu.memory_space<vmem>>
      %dma_start3A_38 = tpu.memref_squeeze %dma_start3A_37 : memref<1x128xi32, #tpu.memory_space<vmem>> -> memref<128xi32, #tpu.memory_space<vmem>>
      %dma_start3A_39 = arith.constant 0 : i32
      %dma_start3A_40 = arith.constant 0 : i32
      %dma_start3A_41 = tpu.memref_slice %arg2[%dma_start3A_39, %dma_start3A_40] : memref<20480x128xf32, #tpu.memory_space<hbm>> -> memref<20480x128xf32, #tpu.memory_space<hbm>>
      tpu.enqueue_indirect_dma source(%dma_start3A_41 : memref<20480x128xf32, #tpu.memory_space<hbm>>) target(%arg10 : memref<128x128xf32, #tpu.memory_space<vmem>>) offsets(%dma_start3A_38 : memref<128xi32, #tpu.memory_space<vmem>>) semaphore(%arg14 : memref<!tpu.dma_semaphore, #tpu.memory_space<semaphore_mem>>)
      %scan3A_42 = arith.constant 0 : i32
      %scan3A_43 = arith.constant 0 : i32
      %scan3A_44 = arith.constant 79 : i32
      %scan3A_45 = arith.addi %scan3A_43, %scan3A_44 : i32
      %scan3A_46 = arith.constant 1 : i32
      scf.for %scan3A_81 = %scan3A_43 to %scan3A_45 step %scan3A_46  : i32 {
        %mul3A_82 = arith.constant 2 : i32
        %mul3A_83 = arith.muli %mul3A_82, %scan3A_81 : i32
        %add3A_84 = arith.constant 1 : i32
        %add3A_85 = arith.addi %add3A_84, %mul3A_83 : i32
        %add3A_86 = arith.constant 0 : i32
        %add3A_87 = arith.addi %add3A_85, %add3A_86 : i32
        %dma_wait3A_88 = arith.constant 0 : i32
        %dma_wait3A_89 = tpu.memref_slice %arg7[%add3A_87, %dma_wait3A_88] : memref<160x128xi32, #tpu.memory_space<vmem>> -> memref<1x128xi32, #tpu.memory_space<vmem>>
        %dma_wait3A_90 = tpu.memref_squeeze %dma_wait3A_89 : memref<1x128xi32, #tpu.memory_space<vmem>> -> memref<128xi32, #tpu.memory_space<vmem>>
        %dma_wait3A_91 = arith.constant 0 : i32
        %dma_wait3A_92 = arith.constant 0 : i32
        %dma_wait3A_93 = tpu.memref_slice %arg2[%dma_wait3A_91, %dma_wait3A_92] : memref<20480x128xf32, #tpu.memory_space<hbm>> -> memref<20480x128xf32, #tpu.memory_space<hbm>>
        tpu.wait_indirect_dma semaphore(%arg14 : memref<!tpu.dma_semaphore, #tpu.memory_space<semaphore_mem>>) src(%dma_wait3A_93 : memref<20480x128xf32, #tpu.memory_space<hbm>>) dst(%arg10 : memref<128x128xf32, #tpu.memory_space<vmem>>)
        %dma_start3A_94 = arith.constant 0 : i32
        %dma_start3A_95 = tpu.memref_slice %arg8[%add3A_87, %dma_start3A_94] : memref<160x128xi32, #tpu.memory_space<vmem>> -> memref<1x128xi32, #tpu.memory_space<vmem>>
        %dma_start3A_96 = tpu.memref_squeeze %dma_start3A_95 : memref<1x128xi32, #tpu.memory_space<vmem>> -> memref<128xi32, #tpu.memory_space<vmem>>
        %dma_start3A_97 = arith.constant 0 : i32
        %dma_start3A_98 = arith.constant 0 : i32
        %dma_start3A_99 = tpu.memref_slice %arg12[%dma_start3A_97, %dma_start3A_98] : memref<1920x128xf32, #tpu.memory_space<vmem_shared>> -> memref<1920x128xf32, #tpu.memory_space<vmem_shared>>
        tpu.enqueue_indirect_dma source(%arg10 : memref<128x128xf32, #tpu.memory_space<vmem>>) target(%dma_start3A_99 : memref<1920x128xf32, #tpu.memory_space<vmem_shared>>) offsets(%dma_start3A_96 : memref<128xi32, #tpu.memory_space<vmem>>) semaphore(%arg16 : memref<!tpu.dma_semaphore, #tpu.memory_space<semaphore_mem>>) {add = true}
        %sub3A = arith.constant 1 : i32
        %sub3A_100 = arith.subi %add3A_87, %sub3A : i32
        %dma_wait3A_101 = arith.constant 0 : i32
        %dma_wait3A_102 = tpu.memref_slice %arg8[%sub3A_100, %dma_wait3A_101] : memref<160x128xi32, #tpu.memory_space<vmem>> -> memref<1x128xi32, #tpu.memory_space<vmem>>
        %dma_wait3A_103 = tpu.memref_squeeze %dma_wait3A_102 : memref<1x128xi32, #tpu.memory_space<vmem>> -> memref<128xi32, #tpu.memory_space<vmem>>
        %dma_wait3A_104 = arith.constant 0 : i32
        %dma_wait3A_105 = arith.constant 0 : i32
        %dma_wait3A_106 = tpu.memref_slice %arg12[%dma_wait3A_104, %dma_wait3A_105] : memref<1920x128xf32, #tpu.memory_space<vmem_shared>> -> memref<1920x128xf32, #tpu.memory_space<vmem_shared>>
        tpu.wait_indirect_dma semaphore(%arg15 : memref<!tpu.dma_semaphore, #tpu.memory_space<semaphore_mem>>) src(%arg9 : memref<128x128xf32, #tpu.memory_space<vmem>>) dst(%dma_wait3A_106 : memref<1920x128xf32, #tpu.memory_space<vmem_shared>>)
        %add3A_107 = arith.constant 1 : i32
        %add3A_108 = arith.addi %add3A_87, %add3A_107 : i32
        %dma_start3A_109 = arith.constant 0 : i32
        %dma_start3A_110 = tpu.memref_slice %arg7[%add3A_108, %dma_start3A_109] : memref<160x128xi32, #tpu.memory_space<vmem>> -> memref<1x128xi32, #tpu.memory_space<vmem>>
        %dma_start3A_111 = tpu.memref_squeeze %dma_start3A_110 : memref<1x128xi32, #tpu.memory_space<vmem>> -> memref<128xi32, #tpu.memory_space<vmem>>
        %dma_start3A_112 = arith.constant 0 : i32
        %dma_start3A_113 = arith.constant 0 : i32
        %dma_start3A_114 = tpu.memref_slice %arg2[%dma_start3A_112, %dma_start3A_113] : memref<20480x128xf32, #tpu.memory_space<hbm>> -> memref<20480x128xf32, #tpu.memory_space<hbm>>
        tpu.enqueue_indirect_dma source(%dma_start3A_114 : memref<20480x128xf32, #tpu.memory_space<hbm>>) target(%arg9 : memref<128x128xf32, #tpu.memory_space<vmem>>) offsets(%dma_start3A_111 : memref<128xi32, #tpu.memory_space<vmem>>) semaphore(%arg13 : memref<!tpu.dma_semaphore, #tpu.memory_space<semaphore_mem>>)
        %mul3A_115 = arith.constant 2 : i32
        %mul3A_116 = arith.muli %mul3A_115, %scan3A_81 : i32
        %add3A_117 = arith.constant 1 : i32
        %add3A_118 = arith.addi %add3A_117, %mul3A_116 : i32
        %add3A_119 = arith.constant 1 : i32
        %add3A_120 = arith.addi %add3A_118, %add3A_119 : i32
        %dma_wait3A_121 = arith.constant 0 : i32
        %dma_wait3A_122 = tpu.memref_slice %arg7[%add3A_120, %dma_wait3A_121] : memref<160x128xi32, #tpu.memory_space<vmem>> -> memref<1x128xi32, #tpu.memory_space<vmem>>
        %dma_wait3A_123 = tpu.memref_squeeze %dma_wait3A_122 : memref<1x128xi32, #tpu.memory_space<vmem>> -> memref<128xi32, #tpu.memory_space<vmem>>
        %dma_wait3A_124 = arith.constant 0 : i32
        %dma_wait3A_125 = arith.constant 0 : i32
        %dma_wait3A_126 = tpu.memref_slice %arg2[%dma_wait3A_124, %dma_wait3A_125] : memref<20480x128xf32, #tpu.memory_space<hbm>> -> memref<20480x128xf32, #tpu.memory_space<hbm>>
        tpu.wait_indirect_dma semaphore(%arg13 : memref<!tpu.dma_semaphore, #tpu.memory_space<semaphore_mem>>) src(%dma_wait3A_126 : memref<20480x128xf32, #tpu.memory_space<hbm>>) dst(%arg9 : memref<128x128xf32, #tpu.memory_space<vmem>>)
        %dma_start3A_127 = arith.constant 0 : i32
        %dma_start3A_128 = tpu.memref_slice %arg8[%add3A_120, %dma_start3A_127] : memref<160x128xi32, #tpu.memory_space<vmem>> -> memref<1x128xi32, #tpu.memory_space<vmem>>
        %dma_start3A_129 = tpu.memref_squeeze %dma_start3A_128 : memref<1x128xi32, #tpu.memory_space<vmem>> -> memref<128xi32, #tpu.memory_space<vmem>>
        %dma_start3A_130 = arith.constant 0 : i32
        %dma_start3A_131 = arith.constant 0 : i32
        %dma_start3A_132 = tpu.memref_slice %arg12[%dma_start3A_130, %dma_start3A_131] : memref<1920x128xf32, #tpu.memory_space<vmem_shared>> -> memref<1920x128xf32, #tpu.memory_space<vmem_shared>>
        tpu.enqueue_indirect_dma source(%arg9 : memref<128x128xf32, #tpu.memory_space<vmem>>) target(%dma_start3A_132 : memref<1920x128xf32, #tpu.memory_space<vmem_shared>>) offsets(%dma_start3A_129 : memref<128xi32, #tpu.memory_space<vmem>>) semaphore(%arg15 : memref<!tpu.dma_semaphore, #tpu.memory_space<semaphore_mem>>) {add = true}
        %sub3A_133 = arith.constant 1 : i32
        %sub3A_134 = arith.subi %add3A_120, %sub3A_133 : i32
        %dma_wait3A_135 = arith.constant 0 : i32
        %dma_wait3A_136 = tpu.memref_slice %arg8[%sub3A_134, %dma_wait3A_135] : memref<160x128xi32, #tpu.memory_space<vmem>> -> memref<1x128xi32, #tpu.memory_space<vmem>>
        %dma_wait3A_137 = tpu.memref_squeeze %dma_wait3A_136 : memref<1x128xi32, #tpu.memory_space<vmem>> -> memref<128xi32, #tpu.memory_space<vmem>>
        %dma_wait3A_138 = arith.constant 0 : i32
        %dma_wait3A_139 = arith.constant 0 : i32
        %dma_wait3A_140 = tpu.memref_slice %arg12[%dma_wait3A_138, %dma_wait3A_139] : memref<1920x128xf32, #tpu.memory_space<vmem_shared>> -> memref<1920x128xf32, #tpu.memory_space<vmem_shared>>
        tpu.wait_indirect_dma semaphore(%arg16 : memref<!tpu.dma_semaphore, #tpu.memory_space<semaphore_mem>>) src(%arg10 : memref<128x128xf32, #tpu.memory_space<vmem>>) dst(%dma_wait3A_140 : memref<1920x128xf32, #tpu.memory_space<vmem_shared>>)
        %add3A_141 = arith.constant 1 : i32
        %add3A_142 = arith.addi %add3A_120, %add3A_141 : i32
        %dma_start3A_143 = arith.constant 0 : i32
        %dma_start3A_144 = tpu.memref_slice %arg7[%add3A_142, %dma_start3A_143] : memref<160x128xi32, #tpu.memory_space<vmem>> -> memref<1x128xi32, #tpu.memory_space<vmem>>
        %dma_start3A_145 = tpu.memref_squeeze %dma_start3A_144 : memref<1x128xi32, #tpu.memory_space<vmem>> -> memref<128xi32, #tpu.memory_space<vmem>>
        %dma_start3A_146 = arith.constant 0 : i32
        %dma_start3A_147 = arith.constant 0 : i32
        %dma_start3A_148 = tpu.memref_slice %arg2[%dma_start3A_146, %dma_start3A_147] : memref<20480x128xf32, #tpu.memory_space<hbm>> -> memref<20480x128xf32, #tpu.memory_space<hbm>>
        tpu.enqueue_indirect_dma source(%dma_start3A_148 : memref<20480x128xf32, #tpu.memory_space<hbm>>) target(%arg10 : memref<128x128xf32, #tpu.memory_space<vmem>>) offsets(%dma_start3A_145 : memref<128xi32, #tpu.memory_space<vmem>>) semaphore(%arg14 : memref<!tpu.dma_semaphore, #tpu.memory_space<semaphore_mem>>)
      }
      %scan3A_47 = arith.constant 79 : i32
      %dma_wait3A_48 = arith.constant 159 : i32
      %dma_wait3A_49 = arith.constant 0 : i32
      %dma_wait3A_50 = tpu.memref_slice %arg7[%dma_wait3A_48, %dma_wait3A_49] : memref<160x128xi32, #tpu.memory_space<vmem>> -> memref<1x128xi32, #tpu.memory_space<vmem>>
      %dma_wait3A_51 = tpu.memref_squeeze %dma_wait3A_50 : memref<1x128xi32, #tpu.memory_space<vmem>> -> memref<128xi32, #tpu.memory_space<vmem>>
      %dma_wait3A_52 = arith.constant 0 : i32
      %dma_wait3A_53 = arith.constant 0 : i32
      %dma_wait3A_54 = tpu.memref_slice %arg2[%dma_wait3A_52, %dma_wait3A_53] : memref<20480x128xf32, #tpu.memory_space<hbm>> -> memref<20480x128xf32, #tpu.memory_space<hbm>>
      tpu.wait_indirect_dma semaphore(%arg14 : memref<!tpu.dma_semaphore, #tpu.memory_space<semaphore_mem>>) src(%dma_wait3A_54 : memref<20480x128xf32, #tpu.memory_space<hbm>>) dst(%arg10 : memref<128x128xf32, #tpu.memory_space<vmem>>)
      %dma_start3A_55 = arith.constant 159 : i32
      %dma_start3A_56 = arith.constant 0 : i32
      %dma_start3A_57 = tpu.memref_slice %arg8[%dma_start3A_55, %dma_start3A_56] : memref<160x128xi32, #tpu.memory_space<vmem>> -> memref<1x128xi32, #tpu.memory_space<vmem>>
      %dma_start3A_58 = tpu.memref_squeeze %dma_start3A_57 : memref<1x128xi32, #tpu.memory_space<vmem>> -> memref<128xi32, #tpu.memory_space<vmem>>
      %dma_start3A_59 = arith.constant 0 : i32
      %dma_start3A_60 = arith.constant 0 : i32
      %dma_start3A_61 = tpu.memref_slice %arg12[%dma_start3A_59, %dma_start3A_60] : memref<1920x128xf32, #tpu.memory_space<vmem_shared>> -> memref<1920x128xf32, #tpu.memory_space<vmem_shared>>
      tpu.enqueue_indirect_dma source(%arg10 : memref<128x128xf32, #tpu.memory_space<vmem>>) target(%dma_start3A_61 : memref<1920x128xf32, #tpu.memory_space<vmem_shared>>) offsets(%dma_start3A_58 : memref<128xi32, #tpu.memory_space<vmem>>) semaphore(%arg16 : memref<!tpu.dma_semaphore, #tpu.memory_space<semaphore_mem>>) {add = true}
      %dma_wait3A_62 = arith.constant 158 : i32
      %dma_wait3A_63 = arith.constant 0 : i32
      %dma_wait3A_64 = tpu.memref_slice %arg8[%dma_wait3A_62, %dma_wait3A_63] : memref<160x128xi32, #tpu.memory_space<vmem>> -> memref<1x128xi32, #tpu.memory_space<vmem>>
      %dma_wait3A_65 = tpu.memref_squeeze %dma_wait3A_64 : memref<1x128xi32, #tpu.memory_space<vmem>> -> memref<128xi32, #tpu.memory_space<vmem>>
      %dma_wait3A_66 = arith.constant 0 : i32
      %dma_wait3A_67 = arith.constant 0 : i32
      %dma_wait3A_68 = tpu.memref_slice %arg12[%dma_wait3A_66, %dma_wait3A_67] : memref<1920x128xf32, #tpu.memory_space<vmem_shared>> -> memref<1920x128xf32, #tpu.memory_space<vmem_shared>>
      tpu.wait_indirect_dma semaphore(%arg15 : memref<!tpu.dma_semaphore, #tpu.memory_space<semaphore_mem>>) src(%arg9 : memref<128x128xf32, #tpu.memory_space<vmem>>) dst(%dma_wait3A_68 : memref<1920x128xf32, #tpu.memory_space<vmem_shared>>)
      %dma_wait3A_69 = arith.constant 159 : i32
      %dma_wait3A_70 = arith.constant 0 : i32
      %dma_wait3A_71 = tpu.memref_slice %arg8[%dma_wait3A_69, %dma_wait3A_70] : memref<160x128xi32, #tpu.memory_space<vmem>> -> memref<1x128xi32, #tpu.memory_space<vmem>>
      %dma_wait3A_72 = tpu.memref_squeeze %dma_wait3A_71 : memref<1x128xi32, #tpu.memory_space<vmem>> -> memref<128xi32, #tpu.memory_space<vmem>>
      %dma_wait3A_73 = arith.constant 0 : i32
      %dma_wait3A_74 = arith.constant 0 : i32
      %dma_wait3A_75 = tpu.memref_slice %arg12[%dma_wait3A_73, %dma_wait3A_74] : memref<1920x128xf32, #tpu.memory_space<vmem_shared>> -> memref<1920x128xf32, #tpu.memory_space<vmem_shared>>
      tpu.wait_indirect_dma semaphore(%arg16 : memref<!tpu.dma_semaphore, #tpu.memory_space<semaphore_mem>>) src(%arg10 : memref<128x128xf32, #tpu.memory_space<vmem>>) dst(%dma_wait3A_75 : memref<1920x128xf32, #tpu.memory_space<vmem_shared>>)
      %barrier3A_76 = arith.constant 0 : index
      tpu.barrier barrier_id(%barrier3A_76)
      "tpu.region"() ({
        %run_scoped3A = tpu.sem_alloc : memref<!tpu.dma_semaphore, #tpu.memory_space<semaphore_mem>>
        %dma_start3A_81 = arith.constant 0 : i32
        %dma_start3A_82 = tpu.memref_slice %arg12[%multiple_of3A_3, %dma_start3A_81] : memref<1920x128xf32, #tpu.memory_space<vmem_shared>> -> memref<112x128xf32, #tpu.memory_space<vmem_shared>>
        %dma_start3A_83 = arith.constant 0 : i32
        %dma_start3A_84 = tpu.memref_slice %arg12[%multiple_of3A_3, %dma_start3A_83] : memref<1920x128xf32, #tpu.memory_space<vmem_shared>> -> memref<112x128xf32, #tpu.memory_space<vmem_shared>>
        tpu.enqueue_dma source(%dma_start3A_84 : memref<112x128xf32, #tpu.memory_space<vmem_shared>>) target(%arg11 : memref<112x128xf32, #tpu.memory_space<vmem>>) target_semaphore(%run_scoped3A : memref<!tpu.dma_semaphore, #tpu.memory_space<semaphore_mem>>)
        %dma_wait3A_85 = arith.constant 0 : i32
        %dma_wait3A_86 = tpu.memref_slice %arg12[%multiple_of3A_3, %dma_wait3A_85] : memref<1920x128xf32, #tpu.memory_space<vmem_shared>> -> memref<112x128xf32, #tpu.memory_space<vmem_shared>>
        %dma_wait3A_87 = arith.constant 0 : i32
        %dma_wait3A_88 = tpu.memref_slice %arg12[%multiple_of3A_3, %dma_wait3A_87] : memref<1920x128xf32, #tpu.memory_space<vmem_shared>> -> memref<112x128xf32, #tpu.memory_space<vmem_shared>>
        tpu.wait_dma2 semaphore(%run_scoped3A : memref<!tpu.dma_semaphore, #tpu.memory_space<semaphore_mem>>) src(%dma_wait3A_88 : memref<112x128xf32, #tpu.memory_space<vmem_shared>>) dst(%arg11 : memref<112x128xf32, #tpu.memory_space<vmem>>)
        tpu.yield
      }) : () -> ()
      %mul3A_77 = arith.constant 1792 : i32
      %mul3A_78 = arith.muli %add3A, %mul3A_77 : i32
      %add3A_79 = arith.addi %mul3A_78, %multiple_of3A_3 : i32
      %multiple_of3A_80 = tpu.assume_multiple %add3A_79, 8 : i32
      "tpu.region"() ({
        %run_scoped3A = tpu.sem_alloc : memref<!tpu.dma_semaphore, #tpu.memory_space<semaphore_mem>>
        %dma_start3A_81 = arith.constant 0 : i32
        %dma_start3A_82 = tpu.memref_slice %arg6[%multiple_of3A_80, %dma_start3A_81] : memref<10752x128xf32, #tpu.memory_space<hbm>> -> memref<112x128xf32, #tpu.memory_space<hbm>>
        %dma_start3A_83 = arith.constant 0 : i32
        %dma_start3A_84 = tpu.memref_slice %arg6[%multiple_of3A_80, %dma_start3A_83] : memref<10752x128xf32, #tpu.memory_space<hbm>> -> memref<112x128xf32, #tpu.memory_space<hbm>>
        tpu.enqueue_dma source(%arg11 : memref<112x128xf32, #tpu.memory_space<vmem>>) target(%dma_start3A_84 : memref<112x128xf32, #tpu.memory_space<hbm>>) target_semaphore(%run_scoped3A : memref<!tpu.dma_semaphore, #tpu.memory_space<semaphore_mem>>)
        %dma_wait3A_85 = arith.constant 0 : i32
        %dma_wait3A_86 = tpu.memref_slice %arg6[%multiple_of3A_80, %dma_wait3A_85] : memref<10752x128xf32, #tpu.memory_space<hbm>> -> memref<112x128xf32, #tpu.memory_space<hbm>>
        %dma_wait3A_87 = arith.constant 0 : i32
        %dma_wait3A_88 = tpu.memref_slice %arg6[%multiple_of3A_80, %dma_wait3A_87] : memref<10752x128xf32, #tpu.memory_space<hbm>> -> memref<112x128xf32, #tpu.memory_space<hbm>>
        tpu.wait_dma2 semaphore(%run_scoped3A : memref<!tpu.dma_semaphore, #tpu.memory_space<semaphore_mem>>) src(%arg11 : memref<112x128xf32, #tpu.memory_space<vmem>>) dst(%dma_wait3A_88 : memref<112x128xf32, #tpu.memory_space<hbm>>)
        tpu.yield
      }) : () -> ()
    }
    %scan3A_8 = arith.constant 3 : i32
    return
  }
}

#map = affine_map<(d0, d1) -> (0, 0)>
module attributes {stable_mosaic.version = 14 : i64} {
  func.func @sc_edge_sweep(%arg0: i32, %arg1: i32, %arg2: memref<20480x128xf32, #tpu.memory_space<hbm>>, %arg3: memref<2560x128xi32, #tpu.memory_space<hbm>>, %arg4: memref<15360x128xi32, #tpu.memory_space<hbm>>, %arg5: memref<112x128xf32, #tpu.memory_space<hbm>>, %arg6: memref<10752x128xf32, #tpu.memory_space<hbm>>, %arg7: memref<160x128xi32, #tpu.memory_space<vmem>>, %arg8: memref<160x128xi32, #tpu.memory_space<vmem>>, %arg9: memref<128x128xf32, #tpu.memory_space<vmem>>, %arg10: memref<128x128xf32, #tpu.memory_space<vmem>>, %arg11: memref<112x128xf32, #tpu.memory_space<vmem>>, %arg12: memref<1920x128xf32, #tpu.memory_space<vmem_shared>>, %arg13: memref<!tpu.dma_semaphore, #tpu.memory_space<semaphore_mem>>, %arg14: memref<!tpu.dma_semaphore, #tpu.memory_space<semaphore_mem>>, %arg15: memref<!tpu.dma_semaphore, #tpu.memory_space<semaphore_mem>>, %arg16: memref<!tpu.dma_semaphore, #tpu.memory_space<semaphore_mem>>) attributes {dimension_semantics = [#tpu.dimension_semantics<core_parallel>, #tpu.dimension_semantics<subcore_parallel>], iteration_bounds = array<i64: 2, 16>, scalar_prefetch = 0 : i64, scratch_operands = 10 : i64, tpu.core_type = #tpu.core_type<sc_vector_subcore>, window_params = [{transform_indices = #map}, {transform_indices = #map}, {transform_indices = #map}, {transform_indices = #map}, {transform_indices = #map}]} {
    %mul3A = arith.constant 160 : i32
    %mul3A_0 = arith.muli %arg1, %mul3A : i32
    %multiple_of3A = tpu.assume_multiple %mul3A_0, 8 : i32
    %mul3A_1 = arith.constant 112 : i32
    %mul3A_2 = arith.muli %arg1, %mul3A_1 : i32
    %multiple_of3A_3 = tpu.assume_multiple %mul3A_2, 8 : i32
    "tpu.region"() ({
      %run_scoped3A = tpu.sem_alloc : memref<!tpu.dma_semaphore, #tpu.memory_space<semaphore_mem>>
      %dma_start3A = arith.constant 0 : i32
      %dma_start3A_9 = tpu.memref_slice %arg3[%multiple_of3A, %dma_start3A] : memref<2560x128xi32, #tpu.memory_space<hbm>> -> memref<160x128xi32, #tpu.memory_space<hbm>>
      %dma_start3A_10 = arith.constant 0 : i32
      %dma_start3A_11 = tpu.memref_slice %arg3[%multiple_of3A, %dma_start3A_10] : memref<2560x128xi32, #tpu.memory_space<hbm>> -> memref<160x128xi32, #tpu.memory_space<hbm>>
      tpu.enqueue_dma source(%dma_start3A_11 : memref<160x128xi32, #tpu.memory_space<hbm>>) target(%arg7 : memref<160x128xi32, #tpu.memory_space<vmem>>) target_semaphore(%run_scoped3A : memref<!tpu.dma_semaphore, #tpu.memory_space<semaphore_mem>>)
      %dma_wait3A = arith.constant 0 : i32
      %dma_wait3A_12 = tpu.memref_slice %arg3[%multiple_of3A, %dma_wait3A] : memref<2560x128xi32, #tpu.memory_space<hbm>> -> memref<160x128xi32, #tpu.memory_space<hbm>>
      %dma_wait3A_13 = arith.constant 0 : i32
      %dma_wait3A_14 = tpu.memref_slice %arg3[%multiple_of3A, %dma_wait3A_13] : memref<2560x128xi32, #tpu.memory_space<hbm>> -> memref<160x128xi32, #tpu.memory_space<hbm>>
      tpu.wait_dma2 semaphore(%run_scoped3A : memref<!tpu.dma_semaphore, #tpu.memory_space<semaphore_mem>>) src(%dma_wait3A_14 : memref<160x128xi32, #tpu.memory_space<hbm>>) dst(%arg7 : memref<160x128xi32, #tpu.memory_space<vmem>>)
      tpu.yield
    }) : () -> ()
    %scan3A = arith.constant 0 : i32
    %scan3A_4 = arith.constant 0 : i32
    %scan3A_5 = arith.constant 3 : i32
    %scan3A_6 = arith.addi %scan3A_4, %scan3A_5 : i32
    %scan3A_7 = arith.constant 1 : i32
    scf.for %scan3A_9 = %scan3A_4 to %scan3A_6 step %scan3A_7  : i32 {
      %mul3A_10 = arith.constant 2 : i32
      %mul3A_11 = arith.muli %mul3A_10, %scan3A_9 : i32
      %add3A = arith.addi %mul3A_11, %arg0 : i32
      %mul3A_12 = arith.constant 2560 : i32
      %mul3A_13 = arith.muli %add3A, %mul3A_12 : i32
      %add3A_14 = arith.addi %mul3A_13, %multiple_of3A : i32
      %multiple_of3A_15 = tpu.assume_multiple %add3A_14, 8 : i32
      "tpu.region"() ({
        %run_scoped3A = tpu.sem_alloc : memref<!tpu.dma_semaphore, #tpu.memory_space<semaphore_mem>>
        %dma_start3A_81 = arith.constant 0 : i32
        %dma_start3A_82 = tpu.memref_slice %arg4[%multiple_of3A_15, %dma_start3A_81] : memref<15360x128xi32, #tpu.memory_space<hbm>> -> memref<160x128xi32, #tpu.memory_space<hbm>>
        %dma_start3A_83 = arith.constant 0 : i32
        %dma_start3A_84 = tpu.memref_slice %arg4[%multiple_of3A_15, %dma_start3A_83] : memref<15360x128xi32, #tpu.memory_space<hbm>> -> memref<160x128xi32, #tpu.memory_space<hbm>>
        tpu.enqueue_dma source(%dma_start3A_84 : memref<160x128xi32, #tpu.memory_space<hbm>>) target(%arg8 : memref<160x128xi32, #tpu.memory_space<vmem>>) target_semaphore(%run_scoped3A : memref<!tpu.dma_semaphore, #tpu.memory_space<semaphore_mem>>)
        %dma_wait3A_85 = arith.constant 0 : i32
        %dma_wait3A_86 = tpu.memref_slice %arg4[%multiple_of3A_15, %dma_wait3A_85] : memref<15360x128xi32, #tpu.memory_space<hbm>> -> memref<160x128xi32, #tpu.memory_space<hbm>>
        %dma_wait3A_87 = arith.constant 0 : i32
        %dma_wait3A_88 = tpu.memref_slice %arg4[%multiple_of3A_15, %dma_wait3A_87] : memref<15360x128xi32, #tpu.memory_space<hbm>> -> memref<160x128xi32, #tpu.memory_space<hbm>>
        tpu.wait_dma2 semaphore(%run_scoped3A : memref<!tpu.dma_semaphore, #tpu.memory_space<semaphore_mem>>) src(%dma_wait3A_88 : memref<160x128xi32, #tpu.memory_space<hbm>>) dst(%arg8 : memref<160x128xi32, #tpu.memory_space<vmem>>)
        tpu.yield
      }) : () -> ()
      "tpu.region"() ({
        %run_scoped3A = tpu.sem_alloc : memref<!tpu.dma_semaphore, #tpu.memory_space<semaphore_mem>>
        tpu.enqueue_dma source(%arg5 : memref<112x128xf32, #tpu.memory_space<hbm>>) target(%arg11 : memref<112x128xf32, #tpu.memory_space<vmem>>) target_semaphore(%run_scoped3A : memref<!tpu.dma_semaphore, #tpu.memory_space<semaphore_mem>>)
        tpu.wait_dma2 semaphore(%run_scoped3A : memref<!tpu.dma_semaphore, #tpu.memory_space<semaphore_mem>>) src(%arg5 : memref<112x128xf32, #tpu.memory_space<hbm>>) dst(%arg11 : memref<112x128xf32, #tpu.memory_space<vmem>>)
        tpu.yield
      }) : () -> ()
      "tpu.region"() ({
        %run_scoped3A = tpu.sem_alloc : memref<!tpu.dma_semaphore, #tpu.memory_space<semaphore_mem>>
        %dma_start3A_81 = arith.constant 0 : i32
        %dma_start3A_82 = tpu.memref_slice %arg12[%multiple_of3A_3, %dma_start3A_81] : memref<1920x128xf32, #tpu.memory_space<vmem_shared>> -> memref<112x128xf32, #tpu.memory_space<vmem_shared>>
        %dma_start3A_83 = arith.constant 0 : i32
        %dma_start3A_84 = tpu.memref_slice %arg12[%multiple_of3A_3, %dma_start3A_83] : memref<1920x128xf32, #tpu.memory_space<vmem_shared>> -> memref<112x128xf32, #tpu.memory_space<vmem_shared>>
        tpu.enqueue_dma source(%arg11 : memref<112x128xf32, #tpu.memory_space<vmem>>) target(%dma_start3A_84 : memref<112x128xf32, #tpu.memory_space<vmem_shared>>) target_semaphore(%run_scoped3A : memref<!tpu.dma_semaphore, #tpu.memory_space<semaphore_mem>>)
        %dma_wait3A_85 = arith.constant 0 : i32
        %dma_wait3A_86 = tpu.memref_slice %arg12[%multiple_of3A_3, %dma_wait3A_85] : memref<1920x128xf32, #tpu.memory_space<vmem_shared>> -> memref<112x128xf32, #tpu.memory_space<vmem_shared>>
        %dma_wait3A_87 = arith.constant 0 : i32
        %dma_wait3A_88 = tpu.memref_slice %arg12[%multiple_of3A_3, %dma_wait3A_87] : memref<1920x128xf32, #tpu.memory_space<vmem_shared>> -> memref<112x128xf32, #tpu.memory_space<vmem_shared>>
        tpu.wait_dma2 semaphore(%run_scoped3A : memref<!tpu.dma_semaphore, #tpu.memory_space<semaphore_mem>>) src(%arg11 : memref<112x128xf32, #tpu.memory_space<vmem>>) dst(%dma_wait3A_88 : memref<112x128xf32, #tpu.memory_space<vmem_shared>>)
        tpu.yield
      }) : () -> ()
      %barrier3A = arith.constant 0 : index
      tpu.barrier barrier_id(%barrier3A)
      %dma_start3A = arith.constant 0 : i32
      %dma_start3A_16 = arith.constant 0 : i32
      %dma_start3A_17 = tpu.memref_slice %arg7[%dma_start3A, %dma_start3A_16] : memref<160x128xi32, #tpu.memory_space<vmem>> -> memref<1x128xi32, #tpu.memory_space<vmem>>
      %dma_start3A_18 = tpu.memref_squeeze %dma_start3A_17 : memref<1x128xi32, #tpu.memory_space<vmem>> -> memref<128xi32, #tpu.memory_space<vmem>>
      %dma_start3A_19 = arith.constant 0 : i32
      %dma_start3A_20 = arith.constant 0 : i32
      %dma_start3A_21 = tpu.memref_slice %arg2[%dma_start3A_19, %dma_start3A_20] : memref<20480x128xf32, #tpu.memory_space<hbm>> -> memref<20480x128xf32, #tpu.memory_space<hbm>>
      tpu.enqueue_indirect_dma source(%dma_start3A_21 : memref<20480x128xf32, #tpu.memory_space<hbm>>) target(%arg9 : memref<128x128xf32, #tpu.memory_space<vmem>>) offsets(%dma_start3A_18 : memref<128xi32, #tpu.memory_space<vmem>>) semaphore(%arg13 : memref<!tpu.dma_semaphore, #tpu.memory_space<semaphore_mem>>)
      %dma_wait3A = arith.constant 0 : i32
      %dma_wait3A_22 = arith.constant 0 : i32
      %dma_wait3A_23 = tpu.memref_slice %arg7[%dma_wait3A, %dma_wait3A_22] : memref<160x128xi32, #tpu.memory_space<vmem>> -> memref<1x128xi32, #tpu.memory_space<vmem>>
      %dma_wait3A_24 = tpu.memref_squeeze %dma_wait3A_23 : memref<1x128xi32, #tpu.memory_space<vmem>> -> memref<128xi32, #tpu.memory_space<vmem>>
      %dma_wait3A_25 = arith.constant 0 : i32
      %dma_wait3A_26 = arith.constant 0 : i32
      %dma_wait3A_27 = tpu.memref_slice %arg2[%dma_wait3A_25, %dma_wait3A_26] : memref<20480x128xf32, #tpu.memory_space<hbm>> -> memref<20480x128xf32, #tpu.memory_space<hbm>>
      tpu.wait_indirect_dma semaphore(%arg13 : memref<!tpu.dma_semaphore, #tpu.memory_space<semaphore_mem>>) src(%dma_wait3A_27 : memref<20480x128xf32, #tpu.memory_space<hbm>>) dst(%arg9 : memref<128x128xf32, #tpu.memory_space<vmem>>)
      %dma_start3A_28 = arith.constant 0 : i32
      %dma_start3A_29 = arith.constant 0 : i32
      %dma_start3A_30 = tpu.memref_slice %arg8[%dma_start3A_28, %dma_start3A_29] : memref<160x128xi32, #tpu.memory_space<vmem>> -> memref<1x128xi32, #tpu.memory_space<vmem>>
      %dma_start3A_31 = tpu.memref_squeeze %dma_start3A_30 : memref<1x128xi32, #tpu.memory_space<vmem>> -> memref<128xi32, #tpu.memory_space<vmem>>
      %dma_start3A_32 = arith.constant 0 : i32
      %dma_start3A_33 = arith.constant 0 : i32
      %dma_start3A_34 = tpu.memref_slice %arg12[%dma_start3A_32, %dma_start3A_33] : memref<1920x128xf32, #tpu.memory_space<vmem_shared>> -> memref<1920x128xf32, #tpu.memory_space<vmem_shared>>
      tpu.enqueue_indirect_dma source(%arg9 : memref<128x128xf32, #tpu.memory_space<vmem>>) target(%dma_start3A_34 : memref<1920x128xf32, #tpu.memory_space<vmem_shared>>) offsets(%dma_start3A_31 : memref<128xi32, #tpu.memory_space<vmem>>) semaphore(%arg15 : memref<!tpu.dma_semaphore, #tpu.memory_space<semaphore_mem>>) {add = true}
      %dma_start3A_35 = arith.constant 1 : i32
      %dma_start3A_36 = arith.constant 0 : i32
      %dma_start3A_37 = tpu.memref_slice %arg7[%dma_start3A_35, %dma_start3A_36] : memref<160x128xi32, #tpu.memory_space<vmem>> -> memref<1x128xi32, #tpu.memory_space<vmem>>
      %dma_start3A_38 = tpu.memref_squeeze %dma_start3A_37 : memref<1x128xi32, #tpu.memory_space<vmem>> -> memref<128xi32, #tpu.memory_space<vmem>>
      %dma_start3A_39 = arith.constant 0 : i32
      %dma_start3A_40 = arith.constant 0 : i32
      %dma_start3A_41 = tpu.memref_slice %arg2[%dma_start3A_39, %dma_start3A_40] : memref<20480x128xf32, #tpu.memory_space<hbm>> -> memref<20480x128xf32, #tpu.memory_space<hbm>>
      tpu.enqueue_indirect_dma source(%dma_start3A_41 : memref<20480x128xf32, #tpu.memory_space<hbm>>) target(%arg10 : memref<128x128xf32, #tpu.memory_space<vmem>>) offsets(%dma_start3A_38 : memref<128xi32, #tpu.memory_space<vmem>>) semaphore(%arg14 : memref<!tpu.dma_semaphore, #tpu.memory_space<semaphore_mem>>)
      %scan3A_42 = arith.constant 0 : i32
      %scan3A_43 = arith.constant 0 : i32
      %scan3A_44 = arith.constant 79 : i32
      %scan3A_45 = arith.addi %scan3A_43, %scan3A_44 : i32
      %scan3A_46 = arith.constant 1 : i32
      scf.for %scan3A_81 = %scan3A_43 to %scan3A_45 step %scan3A_46  : i32 {
        %mul3A_82 = arith.constant 2 : i32
        %mul3A_83 = arith.muli %mul3A_82, %scan3A_81 : i32
        %add3A_84 = arith.constant 1 : i32
        %add3A_85 = arith.addi %add3A_84, %mul3A_83 : i32
        %add3A_86 = arith.constant 0 : i32
        %add3A_87 = arith.addi %add3A_85, %add3A_86 : i32
        %dma_wait3A_88 = arith.constant 0 : i32
        %dma_wait3A_89 = tpu.memref_slice %arg7[%add3A_87, %dma_wait3A_88] : memref<160x128xi32, #tpu.memory_space<vmem>> -> memref<1x128xi32, #tpu.memory_space<vmem>>
        %dma_wait3A_90 = tpu.memref_squeeze %dma_wait3A_89 : memref<1x128xi32, #tpu.memory_space<vmem>> -> memref<128xi32, #tpu.memory_space<vmem>>
        %dma_wait3A_91 = arith.constant 0 : i32
        %dma_wait3A_92 = arith.constant 0 : i32
        %dma_wait3A_93 = tpu.memref_slice %arg2[%dma_wait3A_91, %dma_wait3A_92] : memref<20480x128xf32, #tpu.memory_space<hbm>> -> memref<20480x128xf32, #tpu.memory_space<hbm>>
        tpu.wait_indirect_dma semaphore(%arg14 : memref<!tpu.dma_semaphore, #tpu.memory_space<semaphore_mem>>) src(%dma_wait3A_93 : memref<20480x128xf32, #tpu.memory_space<hbm>>) dst(%arg10 : memref<128x128xf32, #tpu.memory_space<vmem>>)
        %dma_start3A_94 = arith.constant 0 : i32
        %dma_start3A_95 = tpu.memref_slice %arg8[%add3A_87, %dma_start3A_94] : memref<160x128xi32, #tpu.memory_space<vmem>> -> memref<1x128xi32, #tpu.memory_space<vmem>>
        %dma_start3A_96 = tpu.memref_squeeze %dma_start3A_95 : memref<1x128xi32, #tpu.memory_space<vmem>> -> memref<128xi32, #tpu.memory_space<vmem>>
        %dma_start3A_97 = arith.constant 0 : i32
        %dma_start3A_98 = arith.constant 0 : i32
        %dma_start3A_99 = tpu.memref_slice %arg12[%dma_start3A_97, %dma_start3A_98] : memref<1920x128xf32, #tpu.memory_space<vmem_shared>> -> memref<1920x128xf32, #tpu.memory_space<vmem_shared>>
        tpu.enqueue_indirect_dma source(%arg10 : memref<128x128xf32, #tpu.memory_space<vmem>>) target(%dma_start3A_99 : memref<1920x128xf32, #tpu.memory_space<vmem_shared>>) offsets(%dma_start3A_96 : memref<128xi32, #tpu.memory_space<vmem>>) semaphore(%arg16 : memref<!tpu.dma_semaphore, #tpu.memory_space<semaphore_mem>>) {add = true}
        %sub3A = arith.constant 1 : i32
        %sub3A_100 = arith.subi %add3A_87, %sub3A : i32
        %dma_wait3A_101 = arith.constant 0 : i32
        %dma_wait3A_102 = tpu.memref_slice %arg8[%sub3A_100, %dma_wait3A_101] : memref<160x128xi32, #tpu.memory_space<vmem>> -> memref<1x128xi32, #tpu.memory_space<vmem>>
        %dma_wait3A_103 = tpu.memref_squeeze %dma_wait3A_102 : memref<1x128xi32, #tpu.memory_space<vmem>> -> memref<128xi32, #tpu.memory_space<vmem>>
        %dma_wait3A_104 = arith.constant 0 : i32
        %dma_wait3A_105 = arith.constant 0 : i32
        %dma_wait3A_106 = tpu.memref_slice %arg12[%dma_wait3A_104, %dma_wait3A_105] : memref<1920x128xf32, #tpu.memory_space<vmem_shared>> -> memref<1920x128xf32, #tpu.memory_space<vmem_shared>>
        tpu.wait_indirect_dma semaphore(%arg15 : memref<!tpu.dma_semaphore, #tpu.memory_space<semaphore_mem>>) src(%arg9 : memref<128x128xf32, #tpu.memory_space<vmem>>) dst(%dma_wait3A_106 : memref<1920x128xf32, #tpu.memory_space<vmem_shared>>)
        %add3A_107 = arith.constant 1 : i32
        %add3A_108 = arith.addi %add3A_87, %add3A_107 : i32
        %dma_start3A_109 = arith.constant 0 : i32
        %dma_start3A_110 = tpu.memref_slice %arg7[%add3A_108, %dma_start3A_109] : memref<160x128xi32, #tpu.memory_space<vmem>> -> memref<1x128xi32, #tpu.memory_space<vmem>>
        %dma_start3A_111 = tpu.memref_squeeze %dma_start3A_110 : memref<1x128xi32, #tpu.memory_space<vmem>> -> memref<128xi32, #tpu.memory_space<vmem>>
        %dma_start3A_112 = arith.constant 0 : i32
        %dma_start3A_113 = arith.constant 0 : i32
        %dma_start3A_114 = tpu.memref_slice %arg2[%dma_start3A_112, %dma_start3A_113] : memref<20480x128xf32, #tpu.memory_space<hbm>> -> memref<20480x128xf32, #tpu.memory_space<hbm>>
        tpu.enqueue_indirect_dma source(%dma_start3A_114 : memref<20480x128xf32, #tpu.memory_space<hbm>>) target(%arg9 : memref<128x128xf32, #tpu.memory_space<vmem>>) offsets(%dma_start3A_111 : memref<128xi32, #tpu.memory_space<vmem>>) semaphore(%arg13 : memref<!tpu.dma_semaphore, #tpu.memory_space<semaphore_mem>>)
        %mul3A_115 = arith.constant 2 : i32
        %mul3A_116 = arith.muli %mul3A_115, %scan3A_81 : i32
        %add3A_117 = arith.constant 1 : i32
        %add3A_118 = arith.addi %add3A_117, %mul3A_116 : i32
        %add3A_119 = arith.constant 1 : i32
        %add3A_120 = arith.addi %add3A_118, %add3A_119 : i32
        %dma_wait3A_121 = arith.constant 0 : i32
        %dma_wait3A_122 = tpu.memref_slice %arg7[%add3A_120, %dma_wait3A_121] : memref<160x128xi32, #tpu.memory_space<vmem>> -> memref<1x128xi32, #tpu.memory_space<vmem>>
        %dma_wait3A_123 = tpu.memref_squeeze %dma_wait3A_122 : memref<1x128xi32, #tpu.memory_space<vmem>> -> memref<128xi32, #tpu.memory_space<vmem>>
        %dma_wait3A_124 = arith.constant 0 : i32
        %dma_wait3A_125 = arith.constant 0 : i32
        %dma_wait3A_126 = tpu.memref_slice %arg2[%dma_wait3A_124, %dma_wait3A_125] : memref<20480x128xf32, #tpu.memory_space<hbm>> -> memref<20480x128xf32, #tpu.memory_space<hbm>>
        tpu.wait_indirect_dma semaphore(%arg13 : memref<!tpu.dma_semaphore, #tpu.memory_space<semaphore_mem>>) src(%dma_wait3A_126 : memref<20480x128xf32, #tpu.memory_space<hbm>>) dst(%arg9 : memref<128x128xf32, #tpu.memory_space<vmem>>)
        %dma_start3A_127 = arith.constant 0 : i32
        %dma_start3A_128 = tpu.memref_slice %arg8[%add3A_120, %dma_start3A_127] : memref<160x128xi32, #tpu.memory_space<vmem>> -> memref<1x128xi32, #tpu.memory_space<vmem>>
        %dma_start3A_129 = tpu.memref_squeeze %dma_start3A_128 : memref<1x128xi32, #tpu.memory_space<vmem>> -> memref<128xi32, #tpu.memory_space<vmem>>
        %dma_start3A_130 = arith.constant 0 : i32
        %dma_start3A_131 = arith.constant 0 : i32
        %dma_start3A_132 = tpu.memref_slice %arg12[%dma_start3A_130, %dma_start3A_131] : memref<1920x128xf32, #tpu.memory_space<vmem_shared>> -> memref<1920x128xf32, #tpu.memory_space<vmem_shared>>
        tpu.enqueue_indirect_dma source(%arg9 : memref<128x128xf32, #tpu.memory_space<vmem>>) target(%dma_start3A_132 : memref<1920x128xf32, #tpu.memory_space<vmem_shared>>) offsets(%dma_start3A_129 : memref<128xi32, #tpu.memory_space<vmem>>) semaphore(%arg15 : memref<!tpu.dma_semaphore, #tpu.memory_space<semaphore_mem>>) {add = true}
        %sub3A_133 = arith.constant 1 : i32
        %sub3A_134 = arith.subi %add3A_120, %sub3A_133 : i32
        %dma_wait3A_135 = arith.constant 0 : i32
        %dma_wait3A_136 = tpu.memref_slice %arg8[%sub3A_134, %dma_wait3A_135] : memref<160x128xi32, #tpu.memory_space<vmem>> -> memref<1x128xi32, #tpu.memory_space<vmem>>
        %dma_wait3A_137 = tpu.memref_squeeze %dma_wait3A_136 : memref<1x128xi32, #tpu.memory_space<vmem>> -> memref<128xi32, #tpu.memory_space<vmem>>
        %dma_wait3A_138 = arith.constant 0 : i32
        %dma_wait3A_139 = arith.constant 0 : i32
        %dma_wait3A_140 = tpu.memref_slice %arg12[%dma_wait3A_138, %dma_wait3A_139] : memref<1920x128xf32, #tpu.memory_space<vmem_shared>> -> memref<1920x128xf32, #tpu.memory_space<vmem_shared>>
        tpu.wait_indirect_dma semaphore(%arg16 : memref<!tpu.dma_semaphore, #tpu.memory_space<semaphore_mem>>) src(%arg10 : memref<128x128xf32, #tpu.memory_space<vmem>>) dst(%dma_wait3A_140 : memref<1920x128xf32, #tpu.memory_space<vmem_shared>>)
        %add3A_141 = arith.constant 1 : i32
        %add3A_142 = arith.addi %add3A_120, %add3A_141 : i32
        %dma_start3A_143 = arith.constant 0 : i32
        %dma_start3A_144 = tpu.memref_slice %arg7[%add3A_142, %dma_start3A_143] : memref<160x128xi32, #tpu.memory_space<vmem>> -> memref<1x128xi32, #tpu.memory_space<vmem>>
        %dma_start3A_145 = tpu.memref_squeeze %dma_start3A_144 : memref<1x128xi32, #tpu.memory_space<vmem>> -> memref<128xi32, #tpu.memory_space<vmem>>
        %dma_start3A_146 = arith.constant 0 : i32
        %dma_start3A_147 = arith.constant 0 : i32
        %dma_start3A_148 = tpu.memref_slice %arg2[%dma_start3A_146, %dma_start3A_147] : memref<20480x128xf32, #tpu.memory_space<hbm>> -> memref<20480x128xf32, #tpu.memory_space<hbm>>
        tpu.enqueue_indirect_dma source(%dma_start3A_148 : memref<20480x128xf32, #tpu.memory_space<hbm>>) target(%arg10 : memref<128x128xf32, #tpu.memory_space<vmem>>) offsets(%dma_start3A_145 : memref<128xi32, #tpu.memory_space<vmem>>) semaphore(%arg14 : memref<!tpu.dma_semaphore, #tpu.memory_space<semaphore_mem>>)
      }
      %scan3A_47 = arith.constant 79 : i32
      %dma_wait3A_48 = arith.constant 159 : i32
      %dma_wait3A_49 = arith.constant 0 : i32
      %dma_wait3A_50 = tpu.memref_slice %arg7[%dma_wait3A_48, %dma_wait3A_49] : memref<160x128xi32, #tpu.memory_space<vmem>> -> memref<1x128xi32, #tpu.memory_space<vmem>>
      %dma_wait3A_51 = tpu.memref_squeeze %dma_wait3A_50 : memref<1x128xi32, #tpu.memory_space<vmem>> -> memref<128xi32, #tpu.memory_space<vmem>>
      %dma_wait3A_52 = arith.constant 0 : i32
      %dma_wait3A_53 = arith.constant 0 : i32
      %dma_wait3A_54 = tpu.memref_slice %arg2[%dma_wait3A_52, %dma_wait3A_53] : memref<20480x128xf32, #tpu.memory_space<hbm>> -> memref<20480x128xf32, #tpu.memory_space<hbm>>
      tpu.wait_indirect_dma semaphore(%arg14 : memref<!tpu.dma_semaphore, #tpu.memory_space<semaphore_mem>>) src(%dma_wait3A_54 : memref<20480x128xf32, #tpu.memory_space<hbm>>) dst(%arg10 : memref<128x128xf32, #tpu.memory_space<vmem>>)
      %dma_start3A_55 = arith.constant 159 : i32
      %dma_start3A_56 = arith.constant 0 : i32
      %dma_start3A_57 = tpu.memref_slice %arg8[%dma_start3A_55, %dma_start3A_56] : memref<160x128xi32, #tpu.memory_space<vmem>> -> memref<1x128xi32, #tpu.memory_space<vmem>>
      %dma_start3A_58 = tpu.memref_squeeze %dma_start3A_57 : memref<1x128xi32, #tpu.memory_space<vmem>> -> memref<128xi32, #tpu.memory_space<vmem>>
      %dma_start3A_59 = arith.constant 0 : i32
      %dma_start3A_60 = arith.constant 0 : i32
      %dma_start3A_61 = tpu.memref_slice %arg12[%dma_start3A_59, %dma_start3A_60] : memref<1920x128xf32, #tpu.memory_space<vmem_shared>> -> memref<1920x128xf32, #tpu.memory_space<vmem_shared>>
      tpu.enqueue_indirect_dma source(%arg10 : memref<128x128xf32, #tpu.memory_space<vmem>>) target(%dma_start3A_61 : memref<1920x128xf32, #tpu.memory_space<vmem_shared>>) offsets(%dma_start3A_58 : memref<128xi32, #tpu.memory_space<vmem>>) semaphore(%arg16 : memref<!tpu.dma_semaphore, #tpu.memory_space<semaphore_mem>>) {add = true}
      %dma_wait3A_62 = arith.constant 158 : i32
      %dma_wait3A_63 = arith.constant 0 : i32
      %dma_wait3A_64 = tpu.memref_slice %arg8[%dma_wait3A_62, %dma_wait3A_63] : memref<160x128xi32, #tpu.memory_space<vmem>> -> memref<1x128xi32, #tpu.memory_space<vmem>>
      %dma_wait3A_65 = tpu.memref_squeeze %dma_wait3A_64 : memref<1x128xi32, #tpu.memory_space<vmem>> -> memref<128xi32, #tpu.memory_space<vmem>>
      %dma_wait3A_66 = arith.constant 0 : i32
      %dma_wait3A_67 = arith.constant 0 : i32
      %dma_wait3A_68 = tpu.memref_slice %arg12[%dma_wait3A_66, %dma_wait3A_67] : memref<1920x128xf32, #tpu.memory_space<vmem_shared>> -> memref<1920x128xf32, #tpu.memory_space<vmem_shared>>
      tpu.wait_indirect_dma semaphore(%arg15 : memref<!tpu.dma_semaphore, #tpu.memory_space<semaphore_mem>>) src(%arg9 : memref<128x128xf32, #tpu.memory_space<vmem>>) dst(%dma_wait3A_68 : memref<1920x128xf32, #tpu.memory_space<vmem_shared>>)
      %dma_wait3A_69 = arith.constant 159 : i32
      %dma_wait3A_70 = arith.constant 0 : i32
      %dma_wait3A_71 = tpu.memref_slice %arg8[%dma_wait3A_69, %dma_wait3A_70] : memref<160x128xi32, #tpu.memory_space<vmem>> -> memref<1x128xi32, #tpu.memory_space<vmem>>
      %dma_wait3A_72 = tpu.memref_squeeze %dma_wait3A_71 : memref<1x128xi32, #tpu.memory_space<vmem>> -> memref<128xi32, #tpu.memory_space<vmem>>
      %dma_wait3A_73 = arith.constant 0 : i32
      %dma_wait3A_74 = arith.constant 0 : i32
      %dma_wait3A_75 = tpu.memref_slice %arg12[%dma_wait3A_73, %dma_wait3A_74] : memref<1920x128xf32, #tpu.memory_space<vmem_shared>> -> memref<1920x128xf32, #tpu.memory_space<vmem_shared>>
      tpu.wait_indirect_dma semaphore(%arg16 : memref<!tpu.dma_semaphore, #tpu.memory_space<semaphore_mem>>) src(%arg10 : memref<128x128xf32, #tpu.memory_space<vmem>>) dst(%dma_wait3A_75 : memref<1920x128xf32, #tpu.memory_space<vmem_shared>>)
      %barrier3A_76 = arith.constant 0 : index
      tpu.barrier barrier_id(%barrier3A_76)
      "tpu.region"() ({
        %run_scoped3A = tpu.sem_alloc : memref<!tpu.dma_semaphore, #tpu.memory_space<semaphore_mem>>
        %dma_start3A_81 = arith.constant 0 : i32
        %dma_start3A_82 = tpu.memref_slice %arg12[%multiple_of3A_3, %dma_start3A_81] : memref<1920x128xf32, #tpu.memory_space<vmem_shared>> -> memref<112x128xf32, #tpu.memory_space<vmem_shared>>
        %dma_start3A_83 = arith.constant 0 : i32
        %dma_start3A_84 = tpu.memref_slice %arg12[%multiple_of3A_3, %dma_start3A_83] : memref<1920x128xf32, #tpu.memory_space<vmem_shared>> -> memref<112x128xf32, #tpu.memory_space<vmem_shared>>
        tpu.enqueue_dma source(%dma_start3A_84 : memref<112x128xf32, #tpu.memory_space<vmem_shared>>) target(%arg11 : memref<112x128xf32, #tpu.memory_space<vmem>>) target_semaphore(%run_scoped3A : memref<!tpu.dma_semaphore, #tpu.memory_space<semaphore_mem>>)
        %dma_wait3A_85 = arith.constant 0 : i32
        %dma_wait3A_86 = tpu.memref_slice %arg12[%multiple_of3A_3, %dma_wait3A_85] : memref<1920x128xf32, #tpu.memory_space<vmem_shared>> -> memref<112x128xf32, #tpu.memory_space<vmem_shared>>
        %dma_wait3A_87 = arith.constant 0 : i32
        %dma_wait3A_88 = tpu.memref_slice %arg12[%multiple_of3A_3, %dma_wait3A_87] : memref<1920x128xf32, #tpu.memory_space<vmem_shared>> -> memref<112x128xf32, #tpu.memory_space<vmem_shared>>
        tpu.wait_dma2 semaphore(%run_scoped3A : memref<!tpu.dma_semaphore, #tpu.memory_space<semaphore_mem>>) src(%dma_wait3A_88 : memref<112x128xf32, #tpu.memory_space<vmem_shared>>) dst(%arg11 : memref<112x128xf32, #tpu.memory_space<vmem>>)
        tpu.yield
      }) : () -> ()
      %mul3A_77 = arith.constant 1792 : i32
      %mul3A_78 = arith.muli %add3A, %mul3A_77 : i32
      %add3A_79 = arith.addi %mul3A_78, %multiple_of3A_3 : i32
      %multiple_of3A_80 = tpu.assume_multiple %add3A_79, 8 : i32
      "tpu.region"() ({
        %run_scoped3A = tpu.sem_alloc : memref<!tpu.dma_semaphore, #tpu.memory_space<semaphore_mem>>
        %dma_start3A_81 = arith.constant 0 : i32
        %dma_start3A_82 = tpu.memref_slice %arg6[%multiple_of3A_80, %dma_start3A_81] : memref<10752x128xf32, #tpu.memory_space<hbm>> -> memref<112x128xf32, #tpu.memory_space<hbm>>
        %dma_start3A_83 = arith.constant 0 : i32
        %dma_start3A_84 = tpu.memref_slice %arg6[%multiple_of3A_80, %dma_start3A_83] : memref<10752x128xf32, #tpu.memory_space<hbm>> -> memref<112x128xf32, #tpu.memory_space<hbm>>
        tpu.enqueue_dma source(%arg11 : memref<112x128xf32, #tpu.memory_space<vmem>>) target(%dma_start3A_84 : memref<112x128xf32, #tpu.memory_space<hbm>>) target_semaphore(%run_scoped3A : memref<!tpu.dma_semaphore, #tpu.memory_space<semaphore_mem>>)
        %dma_wait3A_85 = arith.constant 0 : i32
        %dma_wait3A_86 = tpu.memref_slice %arg6[%multiple_of3A_80, %dma_wait3A_85] : memref<10752x128xf32, #tpu.memory_space<hbm>> -> memref<112x128xf32, #tpu.memory_space<hbm>>
        %dma_wait3A_87 = arith.constant 0 : i32
        %dma_wait3A_88 = tpu.memref_slice %arg6[%multiple_of3A_80, %dma_wait3A_87] : memref<10752x128xf32, #tpu.memory_space<hbm>> -> memref<112x128xf32, #tpu.memory_space<hbm>>
        tpu.wait_dma2 semaphore(%run_scoped3A : memref<!tpu.dma_semaphore, #tpu.memory_space<semaphore_mem>>) src(%arg11 : memref<112x128xf32, #tpu.memory_space<vmem>>) dst(%dma_wait3A_88 : memref<112x128xf32, #tpu.memory_space<hbm>>)
        tpu.yield
      }) : () -> ()
    }
    %scan3A_8 = arith.constant 3 : i32
    return
  }
}

module attributes {stable_mosaic.version = 14 : i64} {
  func.func @_mm2_body(%arg0: i32, %arg1: memref<1024x128xf32, #tpu.memory_space<vmem>>, %arg2: memref<128x128xf32, #tpu.memory_space<vmem>>, %arg3: memref<1x128xf32, #tpu.memory_space<vmem>>, %arg4: memref<128x128xf32, #tpu.memory_space<vmem>>, %arg5: memref<1x128xf32, #tpu.memory_space<vmem>>, %arg6: memref<1024x128xf32, #tpu.memory_space<vmem>>, %arg7: memref<1024x128xf32, #tpu.memory_space<vmem>>) attributes {dimension_semantics = [#tpu.dimension_semantics<arbitrary>], iteration_bounds = array<i64: 10>, scalar_prefetch = 0 : i64, scratch_operands = 0 : i64, tpu.core_type = #tpu.core_type<tc>, window_params = [{transform_indices = @transform_0, window_bounds = array<i64: 1024, 128>}, {pipeline_mode = #tpu.pipeline_mode<synchronous>, transform_indices = @transform_1, window_bounds = array<i64: 128, 128>}, {pipeline_mode = #tpu.pipeline_mode<synchronous>, transform_indices = @transform_2, window_bounds = array<i64: 1, 128>}, {pipeline_mode = #tpu.pipeline_mode<synchronous>, transform_indices = @transform_3, window_bounds = array<i64: 128, 128>}, {pipeline_mode = #tpu.pipeline_mode<synchronous>, transform_indices = @transform_4, window_bounds = array<i64: 1, 128>}, {transform_indices = @transform_5, window_bounds = array<i64: 1024, 128>}, {transform_indices = @transform_6, window_bounds = array<i64: 1024, 128>}]} {
    %get3A = arith.constant 0 : index
    %get3A_0 = arith.constant 0 : index
    %get3A_1 = vector.load %arg1[%get3A, %get3A_0] : memref<1024x128xf32, #tpu.memory_space<vmem>>, vector<1024x128xf32>
    %get3A_2 = arith.constant 0 : index
    %get3A_3 = arith.constant 0 : index
    %get3A_4 = vector.load %arg2[%get3A_2, %get3A_3] : memref<128x128xf32, #tpu.memory_space<vmem>>, vector<128x128xf32>
    %dot_general3A = arith.constant dense<0.000000e+00> : vector<1024x128xf32>
    %dot_general3A_5 = tpu.matmul %get3A_1, %get3A_4, %dot_general3A {dimension_numbers = #tpu.dot_dimension_numbers<[1], [0], [0], [1], [0, 0, 1, 1], [], []>, transpose_lhs_hint = false} : vector<1024x128xf32>, vector<128x128xf32>, vector<1024x128xf32> -> vector<1024x128xf32>
    %get3A_6 = arith.constant 0 : index
    %get3A_7 = arith.constant 0 : index
    %get3A_8 = vector.load %arg3[%get3A_6, %get3A_7] : memref<1x128xf32, #tpu.memory_space<vmem>>, vector<1x128xf32>
    %add3A = vector.broadcast %get3A_8 : vector<1x128xf32> to vector<1024x128xf32>
    %add3A_9 = arith.addf %dot_general3A_5, %add3A : vector<1024x128xf32>
    %swap3A = arith.constant 0 : index
    %swap3A_10 = arith.constant 0 : index
    %swap3A_11 = vector.load %arg6[%swap3A, %swap3A_10] : memref<1024x128xf32, #tpu.memory_space<vmem>>, vector<1024x128xf32>
    tpu.vector_store %arg6[%swap3A, %swap3A_10], %add3A_9 {strides = array<i32>} : memref<1024x128xf32, #tpu.memory_space<vmem>>, vector<1024x128xf32>,
    %get3A_12 = arith.constant 0 : index
    %get3A_13 = arith.constant 0 : index
    %get3A_14 = vector.load %arg4[%get3A_12, %get3A_13] : memref<128x128xf32, #tpu.memory_space<vmem>>, vector<128x128xf32>
    %dot_general3A_15 = arith.constant dense<0.000000e+00> : vector<1024x128xf32>
    %dot_general3A_16 = tpu.matmul %get3A_1, %get3A_14, %dot_general3A_15 {dimension_numbers = #tpu.dot_dimension_numbers<[1], [0], [0], [1], [0, 0, 1, 1], [], []>, transpose_lhs_hint = false} : vector<1024x128xf32>, vector<128x128xf32>, vector<1024x128xf32> -> vector<1024x128xf32>
    %get3A_17 = arith.constant 0 : index
    %get3A_18 = arith.constant 0 : index
    %get3A_19 = vector.load %arg5[%get3A_17, %get3A_18] : memref<1x128xf32, #tpu.memory_space<vmem>>, vector<1x128xf32>
    %add3A_20 = vector.broadcast %get3A_19 : vector<1x128xf32> to vector<1024x128xf32>
    %add3A_21 = arith.addf %dot_general3A_16, %add3A_20 : vector<1024x128xf32>
    %swap3A_22 = arith.constant 0 : index
    %swap3A_23 = arith.constant 0 : index
    %swap3A_24 = vector.load %arg7[%swap3A_22, %swap3A_23] : memref<1024x128xf32, #tpu.memory_space<vmem>>, vector<1024x128xf32>
    tpu.vector_store %arg7[%swap3A_22, %swap3A_23], %add3A_21 {strides = array<i32>} : memref<1024x128xf32, #tpu.memory_space<vmem>>, vector<1024x128xf32>,
    return
  }
  func.func @transform_0(%arg0: i32) -> (i32, i32) {
    %c0_i32 = arith.constant 0 : i32
    %c0_i32_0 = arith.constant 0 : i32
    return %arg0, %c0_i32 : i32, i32
  }
  func.func @transform_1(%arg0: i32) -> (i32, i32) {
    %c0_i32 = arith.constant 0 : i32
    %c0_i32_0 = arith.constant 0 : i32
    %c0_i32_1 = arith.constant 0 : i32
    return %c0_i32, %c0_i32_0 : i32, i32
  }
  func.func @transform_2(%arg0: i32) -> (i32, i32) {
    %c0_i32 = arith.constant 0 : i32
    %c0_i32_0 = arith.constant 0 : i32
    %c0_i32_1 = arith.constant 0 : i32
    return %c0_i32, %c0_i32_0 : i32, i32
  }
  func.func @transform_3(%arg0: i32) -> (i32, i32) {
    %c0_i32 = arith.constant 0 : i32
    %c0_i32_0 = arith.constant 0 : i32
    %c0_i32_1 = arith.constant 0 : i32
    return %c0_i32, %c0_i32_0 : i32, i32
  }
  func.func @transform_4(%arg0: i32) -> (i32, i32) {
    %c0_i32 = arith.constant 0 : i32
    %c0_i32_0 = arith.constant 0 : i32
    %c0_i32_1 = arith.constant 0 : i32
    return %c0_i32, %c0_i32_0 : i32, i32
  }
  func.func @transform_5(%arg0: i32) -> (i32, i32) {
    %c0_i32 = arith.constant 0 : i32
    %c0_i32_0 = arith.constant 0 : i32
    return %arg0, %c0_i32 : i32, i32
  }
  func.func @transform_6(%arg0: i32) -> (i32, i32) {
    %c0_i32 = arith.constant 0 : i32
    %c0_i32_0 = arith.constant 0 : i32
    return %arg0, %c0_i32 : i32, i32
  }
}

module attributes {stable_mosaic.version = 14 : i64} {
  func.func @_prep_body(%arg0: memref<2560x128xi32, #tpu.memory_space<vmem>>, %arg1: memref<2560x128xi32, #tpu.memory_space<vmem>>, %arg2: memref<2560x128xi32, #tpu.memory_space<vmem>>, %arg3: memref<2560x128xi32, #tpu.memory_space<vmem>>, %arg4: memref<6x2560x128xi32, #tpu.memory_space<vmem>>, %arg5: memref<6x2560x128xi32, #tpu.memory_space<vmem>>) attributes {dimension_semantics = [], scalar_prefetch = 0 : i64, scratch_operands = 0 : i64, tpu.core_type = #tpu.core_type<tc>} {
    %get3A = arith.constant 0 : index
    %get3A_0 = arith.constant 0 : index
    %get3A_1 = vector.load %arg0[%get3A, %get3A_0] : memref<2560x128xi32, #tpu.memory_space<vmem>>, vector<2560x128xi32>
    %get3A_2 = arith.constant 0 : index
    %get3A_3 = arith.constant 0 : index
    %get3A_4 = vector.load %arg1[%get3A_2, %get3A_3] : memref<2560x128xi32, #tpu.memory_space<vmem>>, vector<2560x128xi32>
    %get3A_5 = arith.constant 0 : index
    %get3A_6 = arith.constant 0 : index
    %get3A_7 = vector.load %arg2[%get3A_5, %get3A_6] : memref<2560x128xi32, #tpu.memory_space<vmem>>, vector<2560x128xi32>
    %eq3A = arith.constant 2 : i32
    %eq3A_8 = vector.broadcast %eq3A : i32 to vector<2560x128xi32>
    %eq3A_9 = arith.cmpi eq, %get3A_7, %eq3A_8 : vector<2560x128xi32>
    %jit3A = arith.constant 10240 : i32
    %jit3A_10 = arith.constant 0 : i32
    %broadcast_in_dim3A = vector.broadcast %jit3A : i32 to vector<2560x128xi32>
    %broadcast_in_dim3A_11 = vector.broadcast %jit3A_10 : i32 to vector<2560x128xi32>
    %select_n3A = arith.select %eq3A_9, %broadcast_in_dim3A, %broadcast_in_dim3A_11 : vector<2560x128xi1>, vector<2560x128xi32>
    %add3A = arith.addi %get3A_1, %select_n3A : vector<2560x128xi32>
    %swap3A = arith.constant 0 : index
    %swap3A_12 = arith.constant 0 : index
    %swap3A_13 = vector.load %arg3[%swap3A, %swap3A_12] : memref<2560x128xi32, #tpu.memory_space<vmem>>, vector<2560x128xi32>
    tpu.vector_store %arg3[%swap3A, %swap3A_12], %add3A {strides = array<i32>} : memref<2560x128xi32, #tpu.memory_space<vmem>>, vector<2560x128xi32>,
    %eq3A_14 = arith.constant 1 : i32
    %eq3A_15 = vector.broadcast %eq3A_14 : i32 to vector<2560x128xi32>
    %eq3A_16 = arith.cmpi eq, %get3A_7, %eq3A_15 : vector<2560x128xi32>
    %ge3A = arith.constant 1 : i32
    %ge3A_17 = vector.broadcast %ge3A : i32 to vector<2560x128xi32>
    %ge3A_18 = arith.cmpi sge, %get3A_7, %ge3A_17 : vector<2560x128xi32>
    %iota3A = tpu.iota {dimensions = array<i32: 1>} : vector<2560x128xi32>
    %add3A_19 = arith.constant 1792 : i32
    %add3A_20 = vector.broadcast %add3A_19 : i32 to vector<2560x128xi32>
    %add3A_21 = arith.addi %add3A_20, %iota3A : vector<2560x128xi32>
    %sub3A = arith.constant 0 : i32
    %sub3A_22 = vector.broadcast %sub3A : i32 to vector<2560x128xi32>
    %sub3A_23 = arith.subi %get3A_4, %sub3A_22 : vector<2560x128xi32>
    %ge3A_24 = arith.constant 0 : i32
    %ge3A_25 = vector.broadcast %ge3A_24 : i32 to vector<2560x128xi32>
    %ge3A_26 = arith.cmpi sge, %get3A_4, %ge3A_25 : vector<2560x128xi32>
    %lt3A = arith.constant 1792 : i32
    %lt3A_27 = vector.broadcast %lt3A : i32 to vector<2560x128xi32>
    %lt3A_28 = arith.cmpi slt, %get3A_4, %lt3A_27 : vector<2560x128xi32>
    %and3A = arith.andi %ge3A_26, %lt3A_28 : vector<2560x128xi1>
    %and3A_29 = arith.andi %eq3A_16, %and3A : vector<2560x128xi1>
    %select_n3A_30 = arith.select %and3A_29, %sub3A_23, %add3A_21 : vector<2560x128xi1>, vector<2560x128xi32>
    %swap3A_31 = arith.constant 0 : index
    %swap3A_32 = arith.constant 0 : index
    %swap3A_33 = arith.constant 0 : index
    %swap3A_34 = vector.load %arg4[%swap3A_31, %swap3A_32, %swap3A_33] : memref<6x2560x128xi32, #tpu.memory_space<vmem>>, vector<1x2560x128xi32>
    %swap3A_35 = vector.shape_cast %swap3A_34 : vector<1x2560x128xi32> to vector<2560x128xi32>
    %swap3A_36 = vector.shape_cast %select_n3A_30 : vector<2560x128xi32> to vector<1x2560x128xi32>
    tpu.vector_store %arg4[%swap3A_31, %swap3A_32, %swap3A_33], %swap3A_36 {strides = array<i32>} : memref<6x2560x128xi32, #tpu.memory_space<vmem>>, vector<1x2560x128xi32>,
    %and3A_37 = arith.andi %ge3A_18, %and3A : vector<2560x128xi1>
    %select_n3A_38 = arith.select %and3A_37, %sub3A_23, %add3A_21 : vector<2560x128xi1>, vector<2560x128xi32>
    %swap3A_39 = arith.constant 0 : index
    %swap3A_40 = arith.constant 0 : index
    %swap3A_41 = arith.constant 0 : index
    %swap3A_42 = vector.load %arg5[%swap3A_39, %swap3A_40, %swap3A_41] : memref<6x2560x128xi32, #tpu.memory_space<vmem>>, vector<1x2560x128xi32>
    %swap3A_43 = vector.shape_cast %swap3A_42 : vector<1x2560x128xi32> to vector<2560x128xi32>
    %swap3A_44 = vector.shape_cast %select_n3A_38 : vector<2560x128xi32> to vector<1x2560x128xi32>
    tpu.vector_store %arg5[%swap3A_39, %swap3A_40, %swap3A_41], %swap3A_44 {strides = array<i32>} : memref<6x2560x128xi32, #tpu.memory_space<vmem>>, vector<1x2560x128xi32>,
    %sub3A_45 = arith.constant 1792 : i32
    %sub3A_46 = vector.broadcast %sub3A_45 : i32 to vector<2560x128xi32>
    %sub3A_47 = arith.subi %get3A_4, %sub3A_46 : vector<2560x128xi32>
    %ge3A_48 = arith.constant 1792 : i32
    %ge3A_49 = vector.broadcast %ge3A_48 : i32 to vector<2560x128xi32>
    %ge3A_50 = arith.cmpi sge, %get3A_4, %ge3A_49 : vector<2560x128xi32>
    %lt3A_51 = arith.constant 3584 : i32
    %lt3A_52 = vector.broadcast %lt3A_51 : i32 to vector<2560x128xi32>
    %lt3A_53 = arith.cmpi slt, %get3A_4, %lt3A_52 : vector<2560x128xi32>
    %and3A_54 = arith.andi %ge3A_50, %lt3A_53 : vector<2560x128xi1>
    %and3A_55 = arith.andi %eq3A_16, %and3A_54 : vector<2560x128xi1>
    %select_n3A_56 = arith.select %and3A_55, %sub3A_47, %add3A_21 : vector<2560x128xi1>, vector<2560x128xi32>
    %swap3A_57 = arith.constant 1 : index
    %swap3A_58 = arith.constant 0 : index
    %swap3A_59 = arith.constant 0 : index
    %swap3A_60 = vector.load %arg4[%swap3A_57, %swap3A_58, %swap3A_59] : memref<6x2560x128xi32, #tpu.memory_space<vmem>>, vector<1x2560x128xi32>
    %swap3A_61 = vector.shape_cast %swap3A_60 : vector<1x2560x128xi32> to vector<2560x128xi32>
    %swap3A_62 = vector.shape_cast %select_n3A_56 : vector<2560x128xi32> to vector<1x2560x128xi32>
    tpu.vector_store %arg4[%swap3A_57, %swap3A_58, %swap3A_59], %swap3A_62 {strides = array<i32>} : memref<6x2560x128xi32, #tpu.memory_space<vmem>>, vector<1x2560x128xi32>,
    %and3A_63 = arith.andi %ge3A_18, %and3A_54 : vector<2560x128xi1>
    %select_n3A_64 = arith.select %and3A_63, %sub3A_47, %add3A_21 : vector<2560x128xi1>, vector<2560x128xi32>
    %swap3A_65 = arith.constant 1 : index
    %swap3A_66 = arith.constant 0 : index
    %swap3A_67 = arith.constant 0 : index
    %swap3A_68 = vector.load %arg5[%swap3A_65, %swap3A_66, %swap3A_67] : memref<6x2560x128xi32, #tpu.memory_space<vmem>>, vector<1x2560x128xi32>
    %swap3A_69 = vector.shape_cast %swap3A_68 : vector<1x2560x128xi32> to vector<2560x128xi32>
    %swap3A_70 = vector.shape_cast %select_n3A_64 : vector<2560x128xi32> to vector<1x2560x128xi32>
    tpu.vector_store %arg5[%swap3A_65, %swap3A_66, %swap3A_67], %swap3A_70 {strides = array<i32>} : memref<6x2560x128xi32, #tpu.memory_space<vmem>>, vector<1x2560x128xi32>,
    %sub3A_71 = arith.constant 3584 : i32
    %sub3A_72 = vector.broadcast %sub3A_71 : i32 to vector<2560x128xi32>
    %sub3A_73 = arith.subi %get3A_4, %sub3A_72 : vector<2560x128xi32>
    %ge3A_74 = arith.constant 3584 : i32
    %ge3A_75 = vector.broadcast %ge3A_74 : i32 to vector<2560x128xi32>
    %ge3A_76 = arith.cmpi sge, %get3A_4, %ge3A_75 : vector<2560x128xi32>
    %lt3A_77 = arith.constant 5376 : i32
    %lt3A_78 = vector.broadcast %lt3A_77 : i32 to vector<2560x128xi32>
    %lt3A_79 = arith.cmpi slt, %get3A_4, %lt3A_78 : vector<2560x128xi32>
    %and3A_80 = arith.andi %ge3A_76, %lt3A_79 : vector<2560x128xi1>
    %and3A_81 = arith.andi %eq3A_16, %and3A_80 : vector<2560x128xi1>
    %select_n3A_82 = arith.select %and3A_81, %sub3A_73, %add3A_21 : vector<2560x128xi1>, vector<2560x128xi32>
    %swap3A_83 = arith.constant 2 : index
    %swap3A_84 = arith.constant 0 : index
    %swap3A_85 = arith.constant 0 : index
    %swap3A_86 = vector.load %arg4[%swap3A_83, %swap3A_84, %swap3A_85] : memref<6x2560x128xi32, #tpu.memory_space<vmem>>, vector<1x2560x128xi32>
    %swap3A_87 = vector.shape_cast %swap3A_86 : vector<1x2560x128xi32> to vector<2560x128xi32>
    %swap3A_88 = vector.shape_cast %select_n3A_82 : vector<2560x128xi32> to vector<1x2560x128xi32>
    tpu.vector_store %arg4[%swap3A_83, %swap3A_84, %swap3A_85], %swap3A_88 {strides = array<i32>} : memref<6x2560x128xi32, #tpu.memory_space<vmem>>, vector<1x2560x128xi32>,
    %and3A_89 = arith.andi %ge3A_18, %and3A_80 : vector<2560x128xi1>
    %select_n3A_90 = arith.select %and3A_89, %sub3A_73, %add3A_21 : vector<2560x128xi1>, vector<2560x128xi32>
    %swap3A_91 = arith.constant 2 : index
    %swap3A_92 = arith.constant 0 : index
    %swap3A_93 = arith.constant 0 : index
    %swap3A_94 = vector.load %arg5[%swap3A_91, %swap3A_92, %swap3A_93] : memref<6x2560x128xi32, #tpu.memory_space<vmem>>, vector<1x2560x128xi32>
    %swap3A_95 = vector.shape_cast %swap3A_94 : vector<1x2560x128xi32> to vector<2560x128xi32>
    %swap3A_96 = vector.shape_cast %select_n3A_90 : vector<2560x128xi32> to vector<1x2560x128xi32>
    tpu.vector_store %arg5[%swap3A_91, %swap3A_92, %swap3A_93], %swap3A_96 {strides = array<i32>} : memref<6x2560x128xi32, #tpu.memory_space<vmem>>, vector<1x2560x128xi32>,
    %sub3A_97 = arith.constant 5376 : i32
    %sub3A_98 = vector.broadcast %sub3A_97 : i32 to vector<2560x128xi32>
    %sub3A_99 = arith.subi %get3A_4, %sub3A_98 : vector<2560x128xi32>
    %ge3A_100 = arith.constant 5376 : i32
    %ge3A_101 = vector.broadcast %ge3A_100 : i32 to vector<2560x128xi32>
    %ge3A_102 = arith.cmpi sge, %get3A_4, %ge3A_101 : vector<2560x128xi32>
    %lt3A_103 = arith.constant 7168 : i32
    %lt3A_104 = vector.broadcast %lt3A_103 : i32 to vector<2560x128xi32>
    %lt3A_105 = arith.cmpi slt, %get3A_4, %lt3A_104 : vector<2560x128xi32>
    %and3A_106 = arith.andi %ge3A_102, %lt3A_105 : vector<2560x128xi1>
    %and3A_107 = arith.andi %eq3A_16, %and3A_106 : vector<2560x128xi1>
    %select_n3A_108 = arith.select %and3A_107, %sub3A_99, %add3A_21 : vector<2560x128xi1>, vector<2560x128xi32>
    %swap3A_109 = arith.constant 3 : index
    %swap3A_110 = arith.constant 0 : index
    %swap3A_111 = arith.constant 0 : index
    %swap3A_112 = vector.load %arg4[%swap3A_109, %swap3A_110, %swap3A_111] : memref<6x2560x128xi32, #tpu.memory_space<vmem>>, vector<1x2560x128xi32>
    %swap3A_113 = vector.shape_cast %swap3A_112 : vector<1x2560x128xi32> to vector<2560x128xi32>
    %swap3A_114 = vector.shape_cast %select_n3A_108 : vector<2560x128xi32> to vector<1x2560x128xi32>
    tpu.vector_store %arg4[%swap3A_109, %swap3A_110, %swap3A_111], %swap3A_114 {strides = array<i32>} : memref<6x2560x128xi32, #tpu.memory_space<vmem>>, vector<1x2560x128xi32>,
    %and3A_115 = arith.andi %ge3A_18, %and3A_106 : vector<2560x128xi1>
    %select_n3A_116 = arith.select %and3A_115, %sub3A_99, %add3A_21 : vector<2560x128xi1>, vector<2560x128xi32>
    %swap3A_117 = arith.constant 3 : index
    %swap3A_118 = arith.constant 0 : index
    %swap3A_119 = arith.constant 0 : index
    %swap3A_120 = vector.load %arg5[%swap3A_117, %swap3A_118, %swap3A_119] : memref<6x2560x128xi32, #tpu.memory_space<vmem>>, vector<1x2560x128xi32>
    %swap3A_121 = vector.shape_cast %swap3A_120 : vector<1x2560x128xi32> to vector<2560x128xi32>
    %swap3A_122 = vector.shape_cast %select_n3A_116 : vector<2560x128xi32> to vector<1x2560x128xi32>
    tpu.vector_store %arg5[%swap3A_117, %swap3A_118, %swap3A_119], %swap3A_122 {strides = array<i32>} : memref<6x2560x128xi32, #tpu.memory_space<vmem>>, vector<1x2560x128xi32>,
    %sub3A_123 = arith.constant 7168 : i32
    %sub3A_124 = vector.broadcast %sub3A_123 : i32 to vector<2560x128xi32>
    %sub3A_125 = arith.subi %get3A_4, %sub3A_124 : vector<2560x128xi32>
    %ge3A_126 = arith.constant 7168 : i32
    %ge3A_127 = vector.broadcast %ge3A_126 : i32 to vector<2560x128xi32>
    %ge3A_128 = arith.cmpi sge, %get3A_4, %ge3A_127 : vector<2560x128xi32>
    %lt3A_129 = arith.constant 8960 : i32
    %lt3A_130 = vector.broadcast %lt3A_129 : i32 to vector<2560x128xi32>
    %lt3A_131 = arith.cmpi slt, %get3A_4, %lt3A_130 : vector<2560x128xi32>
    %and3A_132 = arith.andi %ge3A_128, %lt3A_131 : vector<2560x128xi1>
    %and3A_133 = arith.andi %eq3A_16, %and3A_132 : vector<2560x128xi1>
    %select_n3A_134 = arith.select %and3A_133, %sub3A_125, %add3A_21 : vector<2560x128xi1>, vector<2560x128xi32>
    %swap3A_135 = arith.constant 4 : index
    %swap3A_136 = arith.constant 0 : index
    %swap3A_137 = arith.constant 0 : index
    %swap3A_138 = vector.load %arg4[%swap3A_135, %swap3A_136, %swap3A_137] : memref<6x2560x128xi32, #tpu.memory_space<vmem>>, vector<1x2560x128xi32>
    %swap3A_139 = vector.shape_cast %swap3A_138 : vector<1x2560x128xi32> to vector<2560x128xi32>
    %swap3A_140 = vector.shape_cast %select_n3A_134 : vector<2560x128xi32> to vector<1x2560x128xi32>
    tpu.vector_store %arg4[%swap3A_135, %swap3A_136, %swap3A_137], %swap3A_140 {strides = array<i32>} : memref<6x2560x128xi32, #tpu.memory_space<vmem>>, vector<1x2560x128xi32>,
    %and3A_141 = arith.andi %ge3A_18, %and3A_132 : vector<2560x128xi1>
    %select_n3A_142 = arith.select %and3A_141, %sub3A_125, %add3A_21 : vector<2560x128xi1>, vector<2560x128xi32>
    %swap3A_143 = arith.constant 4 : index
    %swap3A_144 = arith.constant 0 : index
    %swap3A_145 = arith.constant 0 : index
    %swap3A_146 = vector.load %arg5[%swap3A_143, %swap3A_144, %swap3A_145] : memref<6x2560x128xi32, #tpu.memory_space<vmem>>, vector<1x2560x128xi32>
    %swap3A_147 = vector.shape_cast %swap3A_146 : vector<1x2560x128xi32> to vector<2560x128xi32>
    %swap3A_148 = vector.shape_cast %select_n3A_142 : vector<2560x128xi32> to vector<1x2560x128xi32>
    tpu.vector_store %arg5[%swap3A_143, %swap3A_144, %swap3A_145], %swap3A_148 {strides = array<i32>} : memref<6x2560x128xi32, #tpu.memory_space<vmem>>, vector<1x2560x128xi32>,
    %sub3A_149 = arith.constant 8960 : i32
    %sub3A_150 = vector.broadcast %sub3A_149 : i32 to vector<2560x128xi32>
    %sub3A_151 = arith.subi %get3A_4, %sub3A_150 : vector<2560x128xi32>
    %ge3A_152 = arith.constant 8960 : i32
    %ge3A_153 = vector.broadcast %ge3A_152 : i32 to vector<2560x128xi32>
    %ge3A_154 = arith.cmpi sge, %get3A_4, %ge3A_153 : vector<2560x128xi32>
    %lt3A_155 = arith.constant 10752 : i32
    %lt3A_156 = vector.broadcast %lt3A_155 : i32 to vector<2560x128xi32>
    %lt3A_157 = arith.cmpi slt, %get3A_4, %lt3A_156 : vector<2560x128xi32>
    %and3A_158 = arith.andi %ge3A_154, %lt3A_157 : vector<2560x128xi1>
    %and3A_159 = arith.andi %eq3A_16, %and3A_158 : vector<2560x128xi1>
    %select_n3A_160 = arith.select %and3A_159, %sub3A_151, %add3A_21 : vector<2560x128xi1>, vector<2560x128xi32>
    %swap3A_161 = arith.constant 5 : index
    %swap3A_162 = arith.constant 0 : index
    %swap3A_163 = arith.constant 0 : index
    %swap3A_164 = vector.load %arg4[%swap3A_161, %swap3A_162, %swap3A_163] : memref<6x2560x128xi32, #tpu.memory_space<vmem>>, vector<1x2560x128xi32>
    %swap3A_165 = vector.shape_cast %swap3A_164 : vector<1x2560x128xi32> to vector<2560x128xi32>
    %swap3A_166 = vector.shape_cast %select_n3A_160 : vector<2560x128xi32> to vector<1x2560x128xi32>
    tpu.vector_store %arg4[%swap3A_161, %swap3A_162, %swap3A_163], %swap3A_166 {strides = array<i32>} : memref<6x2560x128xi32, #tpu.memory_space<vmem>>, vector<1x2560x128xi32>,
    %and3A_167 = arith.andi %ge3A_18, %and3A_158 : vector<2560x128xi1>
    %select_n3A_168 = arith.select %and3A_167, %sub3A_151, %add3A_21 : vector<2560x128xi1>, vector<2560x128xi32>
    %swap3A_169 = arith.constant 5 : index
    %swap3A_170 = arith.constant 0 : index
    %swap3A_171 = arith.constant 0 : index
    %swap3A_172 = vector.load %arg5[%swap3A_169, %swap3A_170, %swap3A_171] : memref<6x2560x128xi32, #tpu.memory_space<vmem>>, vector<1x2560x128xi32>
    %swap3A_173 = vector.shape_cast %swap3A_172 : vector<1x2560x128xi32> to vector<2560x128xi32>
    %swap3A_174 = vector.shape_cast %select_n3A_168 : vector<2560x128xi32> to vector<1x2560x128xi32>
    tpu.vector_store %arg5[%swap3A_169, %swap3A_170, %swap3A_171], %swap3A_174 {strides = array<i32>} : memref<6x2560x128xi32, #tpu.memory_space<vmem>>, vector<1x2560x128xi32>,
    return
  }
}

module attributes {stable_mosaic.version = 14 : i64} {
  func.func @_mid_body(%arg0: i32, %arg1: memref<1024x128xf32, #tpu.memory_space<vmem>>, %arg2: memref<1024x128xf32, #tpu.memory_space<vmem>>, %arg3: memref<128x128xf32, #tpu.memory_space<vmem>>, %arg4: memref<1x128xf32, #tpu.memory_space<vmem>>, %arg5: memref<1024x128xf32, #tpu.memory_space<vmem>>, %arg6: memref<1024x128xf32, #tpu.memory_space<vmem>>) attributes {dimension_semantics = [#tpu.dimension_semantics<arbitrary>], iteration_bounds = array<i64: 10>, scalar_prefetch = 0 : i64, scratch_operands = 0 : i64, tpu.core_type = #tpu.core_type<tc>, window_params = [{transform_indices = @transform_0, window_bounds = array<i64: 1024, 128>}, {transform_indices = @transform_1, window_bounds = array<i64: 1024, 128>}, {pipeline_mode = #tpu.pipeline_mode<synchronous>, transform_indices = @transform_2, window_bounds = array<i64: 128, 128>}, {pipeline_mode = #tpu.pipeline_mode<synchronous>, transform_indices = @transform_3, window_bounds = array<i64: 1, 128>}, {transform_indices = @transform_4, window_bounds = array<i64: 1024, 128>}, {transform_indices = @transform_5, window_bounds = array<i64: 1024, 128>}]} {
    %get3A = arith.constant 0 : index
    %get3A_0 = arith.constant 0 : index
    %get3A_1 = vector.load %arg1[%get3A, %get3A_0] : memref<1024x128xf32, #tpu.memory_space<vmem>>, vector<1024x128xf32>
    %get3A_2 = arith.constant 0 : index
    %get3A_3 = arith.constant 0 : index
    %get3A_4 = vector.load %arg2[%get3A_2, %get3A_3] : memref<1024x128xf32, #tpu.memory_space<vmem>>, vector<1024x128xf32>
    %max3A = arith.constant 0.000000e+00 : f32
    %max3A_5 = vector.broadcast %max3A : f32 to vector<1024x128xf32>
    %max3A_6 = arith.maximumf %get3A_4, %max3A_5 : vector<1024x128xf32>
    %add3A = arith.addf %get3A_1, %max3A_6 : vector<1024x128xf32>
    %mul3A = arith.mulf %add3A, %add3A : vector<1024x128xf32>
    %reduce_sum3A = arith.constant dense<0.000000e+00> : vector<1024xf32>
    %reduce_sum3A_7 = vector.multi_reduction <add>, %mul3A, %reduce_sum3A [1] : vector<1024x128xf32> to vector<1024xf32>
    %broadcast_in_dim3A = vector.shape_cast %reduce_sum3A_7 : vector<1024xf32> to vector<1024x1xf32>
    %sqrt3A = math.sqrt %broadcast_in_dim3A : vector<1024x1xf32>
    %max3A_8 = arith.constant 9.99999996E-13 : f32
    %max3A_9 = vector.broadcast %max3A_8 : f32 to vector<1024x1xf32>
    %max3A_10 = arith.maximumf %sqrt3A, %max3A_9 : vector<1024x1xf32>
    %div3A = vector.broadcast %max3A_10 : vector<1024x1xf32> to vector<1024x128xf32>
    %div3A_11 = arith.divf %add3A, %div3A : vector<1024x128xf32>
    %swap3A = arith.constant 0 : index
    %swap3A_12 = arith.constant 0 : index
    %swap3A_13 = vector.load %arg5[%swap3A, %swap3A_12] : memref<1024x128xf32, #tpu.memory_space<vmem>>, vector<1024x128xf32>
    tpu.vector_store %arg5[%swap3A, %swap3A_12], %div3A_11 {strides = array<i32>} : memref<1024x128xf32, #tpu.memory_space<vmem>>, vector<1024x128xf32>,
    %get3A_14 = arith.constant 0 : index
    %get3A_15 = arith.constant 0 : index
    %get3A_16 = vector.load %arg3[%get3A_14, %get3A_15] : memref<128x128xf32, #tpu.memory_space<vmem>>, vector<128x128xf32>
    %dot_general3A = arith.constant dense<0.000000e+00> : vector<1024x128xf32>
    %dot_general3A_17 = tpu.matmul %div3A_11, %get3A_16, %dot_general3A {dimension_numbers = #tpu.dot_dimension_numbers<[1], [0], [0], [1], [0, 0, 1, 1], [], []>, transpose_lhs_hint = false} : vector<1024x128xf32>, vector<128x128xf32>, vector<1024x128xf32> -> vector<1024x128xf32>
    %get3A_18 = arith.constant 0 : index
    %get3A_19 = arith.constant 0 : index
    %get3A_20 = vector.load %arg4[%get3A_18, %get3A_19] : memref<1x128xf32, #tpu.memory_space<vmem>>, vector<1x128xf32>
    %add3A_21 = vector.broadcast %get3A_20 : vector<1x128xf32> to vector<1024x128xf32>
    %add3A_22 = arith.addf %dot_general3A_17, %add3A_21 : vector<1024x128xf32>
    %swap3A_23 = arith.constant 0 : index
    %swap3A_24 = arith.constant 0 : index
    %swap3A_25 = vector.load %arg6[%swap3A_23, %swap3A_24] : memref<1024x128xf32, #tpu.memory_space<vmem>>, vector<1024x128xf32>
    tpu.vector_store %arg6[%swap3A_23, %swap3A_24], %add3A_22 {strides = array<i32>} : memref<1024x128xf32, #tpu.memory_space<vmem>>, vector<1024x128xf32>,
    return
  }
  func.func @transform_0(%arg0: i32) -> (i32, i32) {
    %c0_i32 = arith.constant 0 : i32
    %c0_i32_0 = arith.constant 0 : i32
    return %arg0, %c0_i32 : i32, i32
  }
  func.func @transform_1(%arg0: i32) -> (i32, i32) {
    %c0_i32 = arith.constant 0 : i32
    %c0_i32_0 = arith.constant 0 : i32
    return %arg0, %c0_i32 : i32, i32
  }
  func.func @transform_2(%arg0: i32) -> (i32, i32) {
    %c0_i32 = arith.constant 0 : i32
    %c0_i32_0 = arith.constant 0 : i32
    %c0_i32_1 = arith.constant 0 : i32
    return %c0_i32, %c0_i32_0 : i32, i32
  }
  func.func @transform_3(%arg0: i32) -> (i32, i32) {
    %c0_i32 = arith.constant 0 : i32
    %c0_i32_0 = arith.constant 0 : i32
    %c0_i32_1 = arith.constant 0 : i32
    return %c0_i32, %c0_i32_0 : i32, i32
  }
  func.func @transform_4(%arg0: i32) -> (i32, i32) {
    %c0_i32 = arith.constant 0 : i32
    %c0_i32_0 = arith.constant 0 : i32
    return %arg0, %c0_i32 : i32, i32
  }
  func.func @transform_5(%arg0: i32) -> (i32, i32) {
    %c0_i32 = arith.constant 0 : i32
    %c0_i32_0 = arith.constant 0 : i32
    return %arg0, %c0_i32 : i32, i32
  }
}

module attributes {stable_mosaic.version = 14 : i64} {
  func.func @_fin_body(%arg0: i32, %arg1: memref<1024x128xf32, #tpu.memory_space<vmem>>, %arg2: memref<1024x128xf32, #tpu.memory_space<vmem>>, %arg3: memref<1024x128xf32, #tpu.memory_space<vmem>>) attributes {dimension_semantics = [#tpu.dimension_semantics<arbitrary>], iteration_bounds = array<i64: 10>, scalar_prefetch = 0 : i64, scratch_operands = 0 : i64, tpu.core_type = #tpu.core_type<tc>, window_params = [{transform_indices = @transform_0, window_bounds = array<i64: 1024, 128>}, {transform_indices = @transform_1, window_bounds = array<i64: 1024, 128>}, {transform_indices = @transform_2, window_bounds = array<i64: 1024, 128>}]} {
    %get3A = arith.constant 0 : index
    %get3A_0 = arith.constant 0 : index
    %get3A_1 = vector.load %arg1[%get3A, %get3A_0] : memref<1024x128xf32, #tpu.memory_space<vmem>>, vector<1024x128xf32>
    %get3A_2 = arith.constant 0 : index
    %get3A_3 = arith.constant 0 : index
    %get3A_4 = vector.load %arg2[%get3A_2, %get3A_3] : memref<1024x128xf32, #tpu.memory_space<vmem>>, vector<1024x128xf32>
    %max3A = arith.constant 0.000000e+00 : f32
    %max3A_5 = vector.broadcast %max3A : f32 to vector<1024x128xf32>
    %max3A_6 = arith.maximumf %get3A_4, %max3A_5 : vector<1024x128xf32>
    %add3A = arith.addf %get3A_1, %max3A_6 : vector<1024x128xf32>
    %mul3A = arith.mulf %add3A, %add3A : vector<1024x128xf32>
    %reduce_sum3A = arith.constant dense<0.000000e+00> : vector<1024xf32>
    %reduce_sum3A_7 = vector.multi_reduction <add>, %mul3A, %reduce_sum3A [1] : vector<1024x128xf32> to vector<1024xf32>
    %broadcast_in_dim3A = vector.shape_cast %reduce_sum3A_7 : vector<1024xf32> to vector<1024x1xf32>
    %sqrt3A = math.sqrt %broadcast_in_dim3A : vector<1024x1xf32>
    %max3A_8 = arith.constant 9.99999996E-13 : f32
    %max3A_9 = vector.broadcast %max3A_8 : f32 to vector<1024x1xf32>
    %max3A_10 = arith.maximumf %sqrt3A, %max3A_9 : vector<1024x1xf32>
    %div3A = vector.broadcast %max3A_10 : vector<1024x1xf32> to vector<1024x128xf32>
    %div3A_11 = arith.divf %add3A, %div3A : vector<1024x128xf32>
    %swap3A = arith.constant 0 : index
    %swap3A_12 = arith.constant 0 : index
    %swap3A_13 = vector.load %arg3[%swap3A, %swap3A_12] : memref<1024x128xf32, #tpu.memory_space<vmem>>, vector<1024x128xf32>
    tpu.vector_store %arg3[%swap3A, %swap3A_12], %div3A_11 {strides = array<i32>} : memref<1024x128xf32, #tpu.memory_space<vmem>>, vector<1024x128xf32>,
    return
  }
  func.func @transform_0(%arg0: i32) -> (i32, i32) {
    %c0_i32 = arith.constant 0 : i32
    %c0_i32_0 = arith.constant 0 : i32
    return %arg0, %c0_i32 : i32, i32
  }
  func.func @transform_1(%arg0: i32) -> (i32, i32) {
    %c0_i32 = arith.constant 0 : i32
    %c0_i32_0 = arith.constant 0 : i32
    return %arg0, %c0_i32 : i32, i32
  }
  func.func @transform_2(%arg0: i32) -> (i32, i32) {
    %c0_i32 = arith.constant 0 : i32
    %c0_i32_0 = arith.constant 0 : i32
    return %arg0, %c0_i32 : i32, i32
  }
}

</mosaic_0001>

<sc_bundles>
// kernel: sc_edge_sweep.4.cloned.1.call-start
scs
__scs_entry_jumppad:
0x0: {  	(pc) =	sbr.rel $0x88, $3  }
0x1: {  	(tag) =	ssettag $0x0;
	lr =	simm.s32 $0x1  }
0x2: {  	[smem:$0x3F98] =	sst lr;
	_ =	strace $0xD0000000  }
0x3: {  	_ = 	snop  }
0x4: {  	_ = 	snop  }
0x5: {  	_ = 	snop  }
0x6: {  	_ = 	snop  }
0x7: {  	_ = 	snop  }
__scs_overlays_trampoline_lowered:
0x8: {  	[smem:$0x3FA7] =	sst s0  }
0x9: {  	[smem:$0x3FA8] =	sst s1  }
0xa: {  	[smem:$0x3FA9] =	sst s2  }
0xb: {  	[smem:$0x3FAA] =	sst s3  }
0xc: {  	[smem:$0x3FAB] =	sst s4  }
0xd: {  	[smem:$0x3FAC] =	sst s5  }
0xe: {  	[smem:$0x3FAD] =	sst s6  }
0xf: {  	[smem:$0x3FAE] =	sst s7  }
0x10: {  	[smem:$0x3FAF] =	sst s8  }
0x11: {  	[smem:$0x3FB0] =	sst s9;
	s0 =	simm.s32 @!p0 $0x0  }
0x12: {  	s1 =	sld [smem:$0x3F96];
	s0 =	simm.s32 @p0 $0x1  }
0x13: {  	[smem:$0x3FB1] =	sst s0;
	s0 =	simm.s32 @!p1 $0x0  }
0x14: {  	s2 =	sld [smem:$0x3F95];
	s0 =	simm.s32 @p1 $0x1  }
0x15: {  	[smem:$0x3FB2] =	sst s0;
	s0 =	simm.s32 @!p2 $0x0  }
0x16: {  	s3 =	sld [smem:$0x3FDB];
	s0 =	simm.s32 @p2 $0x1  }
0x17: {  	s4 =	simm.s32 $0x1BF5;
	[smem:$0x3FB4] =	sst s0  }
0x18: {  	s0 =	sld [smem:$0x3F97];
	_ =	swait.ge [sflag:s4], $0x0  }
0x19: {  	s7 =	sld [smem:$0x3F98]  }
0x1a: {  	s8 =	sadd.s32 $0xFFFFE003, lr  }
0x1b: {  	s9 =	sadd.s32 $0xFFFFFEF7, lr;
	s5 =	simm.s32 $0xFFFFFFFF;
	p2 =	slt.u32 s8, $0xFFFFF086  }
0x1c: {  	p1 =	slt.u32 s9, $0xF7A;
	s5 =	simm.s32 @!p2 $0x0  }
0x1d: {  	s5 =	simm.s32 @p1 $0x1;
	p0 =	seq.s32 s7, s2  }
0x1e: {  	s7 =	smul.u32 @!p0 $0xF7A, s2;
	p2 =	seq.s32 @!p0 s5, $0x0  }
0x1f: {  	s9 =	smul.u32 $0xF7A, s1;
	s8 =	simm.s32 @!p0 $0x1BF5;
	p2 =	por !p2, p0  }
0x20: {  	[sflag:s8] =	ssyncset.s32 @!p0 $0xFFFFF086;
	s6 =	sadd.s32 @!p0 s3, s7;
	s7 =	simm.s32 @!p0 $0x108  }
0x21: {  	s3 =	sadd.s32 s3, s9;
	s6 =	sadd.s32 @!p0 $0x88, s6;
	s7 =	simm.s32 @p2 $0x1082  }
0x22: {  	[simem:s7], [sflag:s8] =	dma.local @!p0 [hbm:s6], $0xF7A  }
0x23: {  	s9 =	sor.u32 $0xD0000000, s2;
	s6 =	simm.s32 $0x108;
	_ =	swait.ge @!p0 [sflag:s8], $0x0  }
0x24: {  	s3 =	sadd.s32 $0x88, s3;
	s6 =	simm.s32 @!p1 $0x1082;
	[sflag:s4] =	ssyncset.s32 $0xFFFFF086  }
0x25: {  	[simem:s6], [sflag:s4] =	dma.local [hbm:s3], $0xF7A  }
0x26: {  	[smem:$0x3F98] =	sst s1;
	(tag) =	ssettag s2;
	_ =	strace s9  }
0x27: {  	s1 =	sld [smem:$0x3FA8]  }
0x28: {  	s2 =	sld [smem:$0x3FA9]  }
0x29: {  	s4 =	sld [smem:$0x3FAB]  }
0x2a: {  	p0 =	seq.s32 s5, $0x0;
	s5 =	sld [smem:$0x3FAC]  }
0x2b: {  	s6 =	sld [smem:$0x3FAD]  }
0x2c: {  	s7 =	sld [smem:$0x3FAE]  }
0x2d: {  	s3 =	simm.s32 $0x108;
	s8 =	sld [smem:$0x3FAF]  }
0x2e: {  	s3 =	simm.s32 @!p0 $0x1082;
	s9 =	sld [smem:$0x3FB0]  }
0x2f: {  	lr =	sadd.s32 s0, s3;
	s0 =	sld [smem:$0x3FA7]  }
0x30: {  	s3 =	sld [smem:$0x3FAA]  }
0x31: {  	[smem:$0x3FB3] =	sst s10  }
0x32: {  	s10 =	sld [smem:$0x3FB1];
	_ =	sdelay $0x3  }
0x33: {  	p0 =	seq.s32 s10, $0x1;
	s10 =	sld [smem:$0x3FB3];
	_ =	sdelay $0x3  }
0x34: {  	[smem:$0x3FB3] =	sst s10  }
0x35: {  	s10 =	sld [smem:$0x3FB2];
	_ =	sdelay $0x3  }
0x36: {  	p1 =	seq.s32 s10, $0x1;
	s10 =	sld [smem:$0x3FB3];
	_ =	sdelay $0x3  }
0x37: {  	[smem:$0x3FB3] =	sst s10  }
0x38: {  	s10 =	sld [smem:$0x3FB4]  }
0x39: {  	_ = 	snop;
	(pc) =	sbr.ind lr, $3  }
0x3a: {  	_ = 	snop  }
0x3b: {  	_ = 	snop  }
0x3c: {  	p2 =	seq.s32 s10, $0x1;
	s10 =	sld [smem:$0x3FB3]  }
0x3d: {  	_ =	shalt  }
0x3e: {  	_ =	shalt  }
0x3f: {  	_ =	shalt  }
0x40: {  	_ =	shalt  }
0x41: {  	_ =	shalt  }
0x42: {  	_ =	shalt  }
0x43: {  	_ =	shalt  }
0x44: {  	_ =	shalt  }
0x45: {  	_ =	shalt  }
0x46: {  	_ =	shalt  }
0x47: {  	_ =	shalt  }
0x48: {  	_ =	shalt  }
0x49: {  	_ =	shalt  }
0x4a: {  	_ =	shalt  }
0x4b: {  	_ =	shalt  }
0x4c: {  	_ =	shalt  }
0x4d: {  	_ =	shalt  }
0x4e: {  	_ =	shalt  }
0x4f: {  	_ =	shalt  }
0x50: {  	_ =	shalt  }
0x51: {  	_ =	shalt  }
0x52: {  	_ =	shalt  }
0x53: {  	_ =	shalt  }
0x54: {  	_ =	shalt  }
0x55: {  	_ =	shalt  }
0x56: {  	_ =	shalt  }
0x57: {  	_ =	shalt  }
0x58: {  	_ =	shalt  }
0x59: {  	_ =	shalt  }
0x5a: {  	_ =	shalt  }
0x5b: {  	_ =	shalt  }
0x5c: {  	_ =	shalt  }
0x5d: {  	_ =	shalt  }
0x5e: {  	_ =	shalt  }
0x5f: {  	_ =	shalt  }
0x60: {  	_ =	shalt  }
0x61: {  	_ =	shalt  }
0x62: {  	_ =	shalt  }
0x63: {  	_ =	shalt  }
0x64: {  	_ =	shalt  }
0x65: {  	_ =	shalt  }
0x66: {  	_ =	shalt  }
0x67: {  	_ =	shalt  }
0x68: {  	_ =	shalt  }
0x69: {  	_ =	shalt  }
0x6a: {  	_ =	shalt  }
0x6b: {  	_ =	shalt  }
0x6c: {  	_ =	shalt  }
0x6d: {  	_ =	shalt  }
0x6e: {  	_ =	shalt  }
0x6f: {  	_ =	shalt  }
0x70: {  	_ =	shalt  }
0x71: {  	_ =	shalt  }
0x72: {  	_ =	shalt  }
0x73: {  	_ =	shalt  }
0x74: {  	_ =	shalt  }
0x75: {  	_ =	shalt  }
0x76: {  	_ =	shalt  }
0x77: {  	_ =	shalt  }
0x78: {  	_ =	shalt  }
0x79: {  	_ =	shalt  }
0x7a: {  	_ =	shalt  }
0x7b: {  	_ =	shalt  }
0x7c: {  	_ =	shalt  }
0x7d: {  	_ =	shalt  }
0x7e: {  	_ =	shalt  }
0x7f: {  	_ =	shalt  }
0x80: {  	_ =	shalt  }
0x81: {  	_ =	shalt  }
0x82: {  	_ =	shalt  }
0x83: {  	_ =	shalt  }
0x84: {  	_ =	shalt  }
0x85: {  	_ =	shalt  }
0x86: {  	_ =	shalt  }
0x87: {  	_ =	shalt  }
.Lfunc_end0:
.L_simem_size_0:
called_computation_lowered:
.L_overlay_start_0:
0x88: {  	s2 =	sld [smem:$0x3FD9]  }
0x89: {  	s3 =	sld [smem:$0x3FFE];
	_ =	sdelay $0x1  }
0x8a: {  	s1 =	srdreg.scid  }
0x8b: {  	s0 =	sand.u32 $0x1, s1  }
0x8c: {  	s17 =	sshll.u32 s0, $0xA;
	s2 =	sadd.s32 s3, s2  }
0x8d: {  	s2 =	sadd.s32 s2, s17  }
0x8e: {  	[smem:$0x3FBF] =	sst s2  }
0x8f: {  	_ = 	snop  }
0x90: {  	s2 =	sld [smem:$0x3FD0];
	(tm) =	ssettm $0x1  }
0x91: {  	s18 =	sld [smem:$0x3FFB];
	_ =	sdelay $0x3  }
0x92: {  	_ =	strace s18  }
0x93: {  	s3 =	sld [smem:$0x3FFC];
	_ =	sdelay $0x3  }
0x94: {  	_ =	strace s3  }
0x95: {  	s3 =	sld [smem:$0x3FFD];
	_ =	sdelay $0x3  }
0x96: {  	_ =	strace s3  }
0x97: {  	_ =	strace $0x8FFFFFFF  }
0x98: {  	s19 =	sld [smem:$0x3FDB];
	_ =	sdelay $0x1  }
0x99: {  	s4 =	simm.s32 $_scs_section_size  }
0x9a: {  	s5 =	simm.s32 $_size__tile_overlayer_lowered;
	s6 =	simm.s32 $_tile_overlayer_lowered  }
0x9b: {  	s22 =	simm.s32 $0x1BFF;
	s21 =	sshll.u32 s6, $0x1;
	s3 =	sadd.s32 s4, s19  }
0x9c: {  	s7 =	simm.s32 $0x0;
	s20 =	sshll.u32 s5, $0x1;
	s5 =	sadd.s32 s21, s3  }
0x9d: {  	[timem:s7], [sflag:s22] =	dma.local [hbm:s5], s20  }
0x9e: {  	_ =	swait.ge [sflag:s22], s20  }
0x9f: {  	s4 =	ssub.s32 $0x0, s20;
	[sflag:s22] =	ssyncset.done $0x0  }
0xa0: {  	[sflag:s22] =	ssyncadd.s32 s4;
	_ =	sdelay $0x1  }
0xa1: {  	s23 =	simm.s32 $0x1B8B  }
0xa2: {  	_ =	swait.ge [sflag:s23], $0x1  }
0xa3: {  	[sflag:s23] =	ssyncset.done $0x0  }
0xa4: {  	s25 =	simm.s32 $0x1B8E;
	s24 =	sld [smem:$0x3FFE];
	[sflag:s23] =	ssyncadd.s32 $0xFFFFFFFF  }
0xa5: {  	s26 =	simm.s32 $execute0_lowered;
	[smem:$0x3FD2] =	sst s25  }
0xa6: {  	s5 =	sshll.u32 s26, $0x1;
	_ =	strace $0x80000046;
	[dreg:$0x1] =	wrdreg $0xFFFFFFFF  }
0xa7: {  	s28 =	simm.s32 $_size_execute0_lowered;
	s3 =	sadd.s32 s3, s5;
	[dreg:$0x0] =	wrdreg $0x0  }
0xa8: {  	s5 =	sshll.u32 s28, $0x1;
	[dreg:$0x2] =	wrdreg s3  }
0xa9: {  	[dreg:$0x3] =	wrdreg s5  }
0xaa: {  	[dreg:$0x4] =	wrdreg $0xC0  }
0xab: {  	_ =	task [dreg:s7], $0x5FFFF  }
0xac: {  	[dreg:$0x1] =	wrdreg $0xFFFFFFFF  }
0xad: {  	[dreg:$0x0] =	wrdreg $0x60  }
0xae: {  	[dreg:$0x2] =	wrdreg s24  }
0xaf: {  	[dreg:$0x3] =	wrdreg s2  }
0xb0: {  	[dreg:$0x4] =	wrdreg $0x158000  }
0xb1: {  	[dreg:$0x5] =	wrdreg $0x9  }
0xb2: {  	_ =	task.clear_ibuf [dreg:s7], $0x6FFFF;
	_ =	strace $0x90000046  }
0xb3: {  	s29 =	simm.s32 $0x9;
	_ =	strace $0x80000048  }
0xb4: {  	_ =	swait.ge [sflag:s29], $0x1  }
0xb5: {  	[sflag:s29] =	ssyncadd.s32 $0xFFFFFFFF  }
0xb6: {  	_ =	strace $0x90000048  }
0xb7: {  	_ =	sfence  }
0xb8: {  	s30 =	sld [smem:$0x0];
	_ =	sdelay $0x2  }
0xb9: {  	s31 =	sshll.u32 s1, $0xD;
	s1 =	sshrl.u32 s1, $0x2  }
0xba: {  	s3 =	sand.u32 $0x4000, s31;
	s1 =	sadd.s32 s1, s30  }
0xbb: {  	s0 =	sor.u32 s3, s0;
	s1 =	sshll.u32 s1, $0x11  }
0xbc: {  	s0 =	sor.u32 s1, s0  }
0xbd: {  	s0 =	sadd.s32 $0x8F2B, s0  }
0xbe: {  	[sflag:s0] =	ssyncadd.remote.s32 $0x1  }
0xbf: {  	_ =	sfence.sel $0xFFFF  }
0xc0: {  	[dreg:$0x0] =	wrdreg $0xFFFFFFFF;
	(pc) =	sbr.abs _section_cstart, $3  }
0xc1: {  	[dreg:$0x1] =	wrdreg $0xFFFFFFFF  }
0xc2: {  	_ =	task.clear_ibuf [dreg:s7], $0x2FFFF;
	_ =	strace $0x9FFFFFFF  }
0xc3: {  	(tm) =	ssettm $0x7FFFFFFF  }
tec
execute0_lowered:
.L_overlay_start_1:
0x0: {  	(tag) =	ssettag $0x1  }
0x1: {  	s9 =	rddreg [dreg:$0x0]  }
0x2: {  	s11 =	rddreg [dreg:$0x1]  }
0x3: {  	s1 =	rddreg [dreg:$0x2]  }
0x4: {  	s0 =	rddreg [dreg:$0x3]  }
0x5: {  	s2 =	simm.s32 $0x0;
	s6 =	srdreg.scid;
	s3 =	stileid.u32  }
0x6: {  	s15 =	simm.s32 $0x5000;
	s16 =	simm.s32 $0x12000;
	s17 =	simm.s32 $0x80  }
0x7: {  	s18 =	simm.s32 $0xA000;
	s19 =	simm.s32 $0x1;
	s20 =	simm.s32 $0xE000  }
0x8: {  	s21 =	simm.s32 $0x2;
	s22 =	simm.s32 $0x3;
	s23 =	simm.s32 $0x4  }
0x9: {  	s24 =	simm.s32 $0x9F80;
	s25 =	simm.s32 $0x0;
	[smem:$0x7FF] =	sst s2  }
0xa: {  	s4 =	sadd.s32 $0x2400, s9;
	s5 =	sadd.s32 $0x52400, s9;
	s7 =	smul.u32 $0xA0, s3  }
0xb: {  	s6 =	sand.u32 $0x1, s6;
	s8 =	sadd.s32 $0xD4400, s9;
	s12 =	smul.u32 $0xE000, s3  }
0xc: {  	s9 =	sadd.s32 $0xD4C00, s9;
	s14 =	smul.u32 $0xA00, s3;
	s10 =	ssub.s32 $0x2, s6  }
0xd: {  	_ =	strace $0x80000047;
	s13 =	sshrl.u32 s10, $0x1;
	s12 =	sshrl.u32 s12, $0x2  }
0xe: {  	s11 =	sadd.s32 s11, s14;
	s14 =	simm.s32 $0x5;
	s13 =	ssub.s32 s10, s13  }
0xf: {  	s10 =	smul.u32 $0x70, s3;
	s12 =	sadd.s32 s12, s1;
	s13 =	smax.u32 s13, $0x1  }
.LBB2_1:
0x10: {  	[tilespmem:s2], [sflag:$0x5] =	stream.linear.gather [hbm4b:s11+s2], $0x5000, $0x38;
	[tilespmem:$0x19400] =	vst v63  }
0x11: {  	_ =	swait.ge [sflag:s14], $0x5000  }
0x12: {  	[sflag:s14] =	ssyncset.done $0x0  }
0x13: {  	s26 =	simm.s32 $0x0;
	[sflag:s14] =	ssyncadd.s32 $0xFFFFB000  }
.LBB2_2:
0x14: {  	s28 =	sshll.u32 s26, $0x1  }
0x15: {  	s28 =	sor.u32 s6, s28  }
0x16: {  	s29 =	smul.u32 $0xA00, s28;
	_ =	sdelay $0x1  }
0x17: {  	s29 =	sadd.s32 s7, s29  }
0x18: {  	s29 =	sshll.u32 s29, $0x4  }
0x19: {  	s29 =	sadd.s32 s5, s29  }
0x1a: {  	[tilespmem:s15], [sflag:$0x5] =	stream.linear.gather [hbm4b:s29+s2], $0x5000, $0x38;
	[tilespmem:$0x19400] =	vst v63  }
0x1b: {  	_ =	swait.ge [sflag:s14], $0x5000  }
0x1c: {  	[sflag:s14] =	ssyncset.done $0x0  }
0x1d: {  	[sflag:s14] =	ssyncadd.s32 $0xFFFFB000  }
0x1e: {  	[tilespmem:s16], [sflag:$0x5] =	stream.linear.gather [hbm4b:s8+s2], $0x3800, $0x38;
	[tilespmem:$0x19400] =	vst v63  }
0x1f: {  	_ =	swait.ge [sflag:s14], $0x3800  }
0x20: {  	[sflag:s14] =	ssyncset.done $0x0  }
0x21: {  	[sflag:s14] =	ssyncadd.s32 $0xFFFFC800  }
0x22: {  	[spmem:s12] =	stream.linear.scatter [tilespmem:s16], [sflag:$0x5], $0x3800, $0x38;
	[tilespmem:$0x19400] =	vst v63  }
0x23: {  	_ =	swait.ge [sflag:s14], $0x3800  }
0x24: {  	[sflag:s14] =	ssyncset.done $0x0  }
0x25: {  	[sflag:s14] =	ssyncadd.s32 $0xFFFFC800  }
0x26: {  	[bflag:$0x0] =	sbarrier.arrive $0xFFFF  }
0x27: {  	[tilespmem:s18], [sflag:$0x1] =	stream.indirect.gather [hbm4b:s4+s17], $0x80, s2, s17, $0xb8;
	[tilespmem:$0x19400] =	vst v63  }
0x28: {  	_ =	swait.ge [sflag:s19], $0x4000  }
0x29: {  	[sflag:s19] =	ssyncset.done $0x0  }
0x2a: {  	[sflag:s19] =	ssyncadd.s32 $0xFFFFC000  }
0x2b: {  	[spmem:s1] =	stream.indirect.scatter.add.f32 [tilespmem:s18], [sflag:$0x3], $0x80, s15, s17, $0xb8;
	[tilespmem:$0x19400] =	vst v63  }
0x2c: {  	_ = 	snop  }
0x2d: {  	[tilespmem:s20], [sflag:$0x2] =	stream.indirect.gather [hbm4b:s4+s17], $0x80, s17, s17, $0xb8;
	[tilespmem:$0x19400] =	vst v63  }
0x2e: {  	_ =	swait.ge [sflag:s21], $0x4000  }
0x2f: {  	[sflag:s21] =	ssyncset.done $0x0  }
0x30: {  	s29 =	simm.s32 $0x5080;
	[sflag:s21] =	ssyncadd.s32 $0xFFFFC000  }
0x31: {  	[spmem:s1] =	stream.indirect.scatter.add.f32 [tilespmem:s20], [sflag:$0x4], $0x80, s29, s17, $0xb8;
	[tilespmem:$0x19400] =	vst v63  }
0x32: {  	_ =	swait.ge [sflag:s22], $0x4000  }
0x33: {  	[sflag:s22] =	ssyncset.done $0x0  }
0x34: {  	s29 =	simm.s32 $0x100;
	[sflag:s22] =	ssyncadd.s32 $0xFFFFC000  }
0x35: {  	[tilespmem:s18], [sflag:$0x1] =	stream.indirect.gather [hbm4b:s4+s17], $0x80, s29, s17, $0xb8;
	[tilespmem:$0x19400] =	vst v63  }
0x36: {  	_ =	swait.ge [sflag:s19], $0x4000  }
0x37: {  	[sflag:s19] =	ssyncset.done $0x0  }
0x38: {  	s29 =	simm.s32 $0x5100;
	[sflag:s19] =	ssyncadd.s32 $0xFFFFC000  }
0x39: {  	[spmem:s1] =	stream.indirect.scatter.add.f32 [tilespmem:s18], [sflag:$0x3], $0x80, s29, s17, $0xb8;
	[tilespmem:$0x19400] =	vst v63  }
0x3a: {  	_ =	swait.ge [sflag:s23], $0x4000  }
0x3b: {  	[sflag:s23] =	ssyncset.done $0x0  }
0x3c: {  	s30 =	simm.s32 $0x180;
	s29 =	simm.s32 $0xFFFEC800;
	[sflag:s23] =	ssyncadd.s32 $0xFFFFC000  }
.LBB2_3:
0x3d: {  	[tilespmem:s20], [sflag:$0x2] =	stream.indirect.gather [hbm4b:s4+s17], $0x80, s30, s17, $0xb8;
	[tilespmem:$0x19400] =	vst v63  }
0x3e: {  	s30 =	smov.u32 s29  }
0x3f: {  	p0 =	sne.s32 s29, $0xFFFFFC00;
	s29 =	sadd.s32 $0x400, s29;
	_ =	swait.ge [sflag:s21], $0x4000  }
0x40: {  	s30 =	sshra.s32 s30, $0x2;
	[sflag:s21] =	ssyncset.done $0x0  }
0x41: {  	s31 =	sadd.s32 $0x9F80, s30;
	[sflag:s21] =	ssyncadd.s32 $0xFFFFC000  }
0x42: {  	[spmem:s1] =	stream.indirect.scatter.add.f32 [tilespmem:s20], [sflag:$0x4], $0x80, s31, s17, $0xb8;
	[tilespmem:$0x19400] =	vst v63  }
0x43: {  	_ =	swait.ge [sflag:s22], $0x4000  }
0x44: {  	[sflag:s22] =	ssyncset.done $0x0  }
0x45: {  	s31 =	sadd.s32 $0x5000, s30;
	[sflag:s22] =	ssyncadd.s32 $0xFFFFC000  }
0x46: {  	[tilespmem:s18], [sflag:$0x1] =	stream.indirect.gather [hbm4b:s4+s17], $0x80, s31, s17, $0xb8;
	[tilespmem:$0x19400] =	vst v63  }
0x47: {  	_ =	swait.ge [sflag:s19], $0x4000  }
0x48: {  	[sflag:s19] =	ssyncset.done $0x0  }
.Ltmp0:
0x49: {  	s31 =	sadd.s32 $0xA000, s30;
	[sflag:s19] =	ssyncadd.s32 $0xFFFFC000;
	(pc) =	sbr.rel @p0 .LBB2_3-.Ltmp0, $4  }
0x4a: {  	[spmem:s1] =	stream.indirect.scatter.add.f32 [tilespmem:s18], [sflag:$0x3], $0x80, s31, s17, $0xb8;
	[tilespmem:$0x19400] =	vst v63  }
0x4b: {  	_ =	swait.ge [sflag:s23], $0x4000  }
0x4c: {  	[sflag:s23] =	ssyncset.done $0x0  }
0x4d: {  	s30 =	sadd.s32 $0x5080, s30;
	[sflag:s23] =	ssyncadd.s32 $0xFFFFC000  }
0x4e: {  	[tilespmem:s20], [sflag:$0x2] =	stream.indirect.gather [hbm4b:s4+s17], $0x80, s30, s17, $0xb8;
	[tilespmem:$0x19400] =	vst v63  }
0x4f: {  	_ =	swait.ge [sflag:s21], $0x4000  }
0x50: {  	[sflag:s21] =	ssyncset.done $0x0  }
0x51: {  	[sflag:s21] =	ssyncadd.s32 $0xFFFFC000  }
0x52: {  	[spmem:s1] =	stream.indirect.scatter.add.f32 [tilespmem:s20], [sflag:$0x4], $0x80, s24, s17, $0xb8;
	[tilespmem:$0x19400] =	vst v63  }
0x53: {  	_ =	swait.ge [sflag:s22], $0x4000  }
0x54: {  	[sflag:s22] =	ssyncset.done $0x0  }
0x55: {  	[sflag:s22] =	ssyncadd.s32 $0xFFFFC000  }
0x56: {  	_ =	swait.ge [sflag:s23], $0x4000  }
0x57: {  	[sflag:s23] =	ssyncset.done $0x0  }
0x58: {  	[sflag:s23] =	ssyncadd.s32 $0xFFFFC000  }
0x59: {  	s28 =	smul.u32 $0x700, s28;
	[bflag:$0x0] =	sbarrier.arrive $0xFFFF  }
0x5a: {  	[tilespmem:s16], [sflag:$0x5] =	stream.linear.gather [spmem:s12], $0x3800, $0x38;
	[tilespmem:$0x19400] =	vst v63  }
0x5b: {  	s26 =	sadd.s32 $0x1, s26;
	s28 =	sadd.s32 s10, s28;
	_ =	swait.ge [sflag:s14], $0x3800  }
0x5c: {  	p0 =	sne.s32 s26, $0x3;
	s28 =	sshll.u32 s28, $0x4;
	[sflag:s14] =	ssyncset.done $0x0  }
.Ltmp1:
0x5d: {  	s28 =	sadd.s32 s9, s28;
	[sflag:s14] =	ssyncadd.s32 $0xFFFFC800;
	(pc) =	sbr.rel @p0 .LBB2_2-.Ltmp1, $4  }
0x5e: {  	[hbm4b:s28+s2] =	stream.linear.scatter [tilespmem:s16], [sflag:$0x5], $0x3800, $0x38;
	[tilespmem:$0x19400] =	vst v63  }
0x5f: {  	_ =	swait.ge [sflag:s14], $0x3800  }
0x60: {  	[sflag:s14] =	ssyncset.done $0x0  }
0x61: {  	[sflag:s14] =	ssyncadd.s32 $0xFFFFC800  }
0x62: {  	s25 =	sadd.s32 $0x1, s25  }
0x63: {  	p0 =	sne.s32 s25, s13  }
.Ltmp2:
0x64: {  	_ = 	snop;
	(pc) =	sbr.rel @p0 .LBB2_1-.Ltmp2, $1  }
0x65: {  	_ =	sdelay $0x3  }
0x66: {  	_ =	sfence.sel $0x180000  }
0x67: {  	[bflag:$0x0] =	sbarrier.arrive $0xFFFF  }
0x68: {  	p0 =	sne.s32 s3, $0x0;
	_ =	strace $0x90000047  }
0x69: {  	s0 =	sadd.s32 @!p0 $0x100000, s0;
	[bflag:$0x2] =	sbarrier.arrive $0xFFFF  }
0x6a: {  	[sflag:s0] =	ssyncadd.tile.s32 @!p0 $0x1;
	_ =	shalt  }
.Lfunc_end2:
_tile_overlayer_lowered:
.L_overlay_start_2:
0x6b: {  	(tag) =	ssettag $0x2  }
0x6c: {  	s0 =	rddreg [dreg:$0x0];
	s2 =	stileid.u32  }
0x6d: {  	s1 =	rddreg [dreg:$0x1];
	p0 =	sne.s32 s2, $0x0  }
0x6e: {  	s3 =	rddreg [dreg:$0x2];
	[bflag:$0x3] =	sbarrier.arrive $0xFFFF;
	s2 =	simm.s32 @!p0 $0x1C05  }
0x6f: {  	[timem:s3], [sflag:s2] =	dma.local @!p0 [hbm:s0], s1  }
0x70: {  	s0 =	simm.s32 @!p0 $0x5  }
0x71: {  	_ =	swait.ge @!p0 [sflag:s0], s1  }
0x72: {  	s1 =	ssub.s32 @!p0 $0x0, s1;
	[sflag:s0] =	ssyncset.done @!p0 $0x0  }
0x73: {  	[sflag:s0] =	ssyncadd.s32 @!p0 s1  }
0x74: {  	[bflag:$0x3] =	sbarrier.arrive $0xFFFF  }
0x75: {  	_ =	shalt  }

// kernel: sc_edge_sweep.7.cloned.1.call-start
scs
__scs_entry_jumppad:
0x0: {  	(pc) =	sbr.rel $0x88, $3  }
0x1: {  	(tag) =	ssettag $0x0;
	lr =	simm.s32 $0x1  }
0x2: {  	[smem:$0x3F98] =	sst lr;
	_ =	strace $0xD0000000  }
0x3: {  	_ = 	snop  }
0x4: {  	_ = 	snop  }
0x5: {  	_ = 	snop  }
0x6: {  	_ = 	snop  }
0x7: {  	_ = 	snop  }
__scs_overlays_trampoline_lowered:
0x8: {  	[smem:$0x3FA7] =	sst s0  }
0x9: {  	[smem:$0x3FA8] =	sst s1  }
0xa: {  	[smem:$0x3FA9] =	sst s2  }
0xb: {  	[smem:$0x3FAA] =	sst s3  }
0xc: {  	[smem:$0x3FAB] =	sst s4  }
0xd: {  	[smem:$0x3FAC] =	sst s5  }
0xe: {  	[smem:$0x3FAD] =	sst s6  }
0xf: {  	[smem:$0x3FAE] =	sst s7  }
0x10: {  	[smem:$0x3FAF] =	sst s8  }
0x11: {  	[smem:$0x3FB0] =	sst s9;
	s0 =	simm.s32 @!p0 $0x0  }
0x12: {  	s1 =	sld [smem:$0x3F96];
	s0 =	simm.s32 @p0 $0x1  }
0x13: {  	[smem:$0x3FB1] =	sst s0;
	s0 =	simm.s32 @!p1 $0x0  }
0x14: {  	s2 =	sld [smem:$0x3F95];
	s0 =	simm.s32 @p1 $0x1  }
0x15: {  	[smem:$0x3FB2] =	sst s0;
	s0 =	simm.s32 @!p2 $0x0  }
0x16: {  	s3 =	sld [smem:$0x3FDB];
	s0 =	simm.s32 @p2 $0x1  }
0x17: {  	s4 =	simm.s32 $0x1BF5;
	[smem:$0x3FB4] =	sst s0  }
0x18: {  	s0 =	sld [smem:$0x3F97];
	_ =	swait.ge [sflag:s4], $0x0  }
0x19: {  	s7 =	sld [smem:$0x3F98]  }
0x1a: {  	s8 =	sadd.s32 $0xFFFFE003, lr  }
0x1b: {  	s9 =	sadd.s32 $0xFFFFFEF7, lr;
	s5 =	simm.s32 $0xFFFFFFFF;
	p2 =	slt.u32 s8, $0xFFFFF086  }
0x1c: {  	p1 =	slt.u32 s9, $0xF7A;
	s5 =	simm.s32 @!p2 $0x0  }
0x1d: {  	s5 =	simm.s32 @p1 $0x1;
	p0 =	seq.s32 s7, s2  }
0x1e: {  	s7 =	smul.u32 @!p0 $0xF7A, s2;
	p2 =	seq.s32 @!p0 s5, $0x0  }
0x1f: {  	s9 =	smul.u32 $0xF7A, s1;
	s8 =	simm.s32 @!p0 $0x1BF5;
	p2 =	por !p2, p0  }
0x20: {  	[sflag:s8] =	ssyncset.s32 @!p0 $0xFFFFF086;
	s6 =	sadd.s32 @!p0 s3, s7;
	s7 =	simm.s32 @!p0 $0x108  }
0x21: {  	s3 =	sadd.s32 s3, s9;
	s6 =	sadd.s32 @!p0 $0x88, s6;
	s7 =	simm.s32 @p2 $0x1082  }
0x22: {  	[simem:s7], [sflag:s8] =	dma.local @!p0 [hbm:s6], $0xF7A  }
0x23: {  	s9 =	sor.u32 $0xD0000000, s2;
	s6 =	simm.s32 $0x108;
	_ =	swait.ge @!p0 [sflag:s8], $0x0  }
0x24: {  	s3 =	sadd.s32 $0x88, s3;
	s6 =	simm.s32 @!p1 $0x1082;
	[sflag:s4] =	ssyncset.s32 $0xFFFFF086  }
0x25: {  	[simem:s6], [sflag:s4] =	dma.local [hbm:s3], $0xF7A  }
0x26: {  	[smem:$0x3F98] =	sst s1;
	(tag) =	ssettag s2;
	_ =	strace s9  }
0x27: {  	s1 =	sld [smem:$0x3FA8]  }
0x28: {  	s2 =	sld [smem:$0x3FA9]  }
0x29: {  	s4 =	sld [smem:$0x3FAB]  }
0x2a: {  	p0 =	seq.s32 s5, $0x0;
	s5 =	sld [smem:$0x3FAC]  }
0x2b: {  	s6 =	sld [smem:$0x3FAD]  }
0x2c: {  	s7 =	sld [smem:$0x3FAE]  }
0x2d: {  	s3 =	simm.s32 $0x108;
	s8 =	sld [smem:$0x3FAF]  }
0x2e: {  	s3 =	simm.s32 @!p0 $0x1082;
	s9 =	sld [smem:$0x3FB0]  }
0x2f: {  	lr =	sadd.s32 s0, s3;
	s0 =	sld [smem:$0x3FA7]  }
0x30: {  	s3 =	sld [smem:$0x3FAA]  }
0x31: {  	[smem:$0x3FB3] =	sst s10  }
0x32: {  	s10 =	sld [smem:$0x3FB1];
	_ =	sdelay $0x3  }
0x33: {  	p0 =	seq.s32 s10, $0x1;
	s10 =	sld [smem:$0x3FB3];
	_ =	sdelay $0x3  }
0x34: {  	[smem:$0x3FB3] =	sst s10  }
0x35: {  	s10 =	sld [smem:$0x3FB2];
	_ =	sdelay $0x3  }
0x36: {  	p1 =	seq.s32 s10, $0x1;
	s10 =	sld [smem:$0x3FB3];
	_ =	sdelay $0x3  }
0x37: {  	[smem:$0x3FB3] =	sst s10  }
0x38: {  	s10 =	sld [smem:$0x3FB4]  }
0x39: {  	_ = 	snop;
	(pc) =	sbr.ind lr, $3  }
0x3a: {  	_ = 	snop  }
0x3b: {  	_ = 	snop  }
0x3c: {  	p2 =	seq.s32 s10, $0x1;
	s10 =	sld [smem:$0x3FB3]  }
0x3d: {  	_ =	shalt  }
0x3e: {  	_ =	shalt  }
0x3f: {  	_ =	shalt  }
0x40: {  	_ =	shalt  }
0x41: {  	_ =	shalt  }
0x42: {  	_ =	shalt  }
0x43: {  	_ =	shalt  }
0x44: {  	_ =	shalt  }
0x45: {  	_ =	shalt  }
0x46: {  	_ =	shalt  }
0x47: {  	_ =	shalt  }
0x48: {  	_ =	shalt  }
0x49: {  	_ =	shalt  }
0x4a: {  	_ =	shalt  }
0x4b: {  	_ =	shalt  }
0x4c: {  	_ =	shalt  }
0x4d: {  	_ =	shalt  }
0x4e: {  	_ =	shalt  }
0x4f: {  	_ =	shalt  }
0x50: {  	_ =	shalt  }
0x51: {  	_ =	shalt  }
0x52: {  	_ =	shalt  }
0x53: {  	_ =	shalt  }
0x54: {  	_ =	shalt  }
0x55: {  	_ =	shalt  }
0x56: {  	_ =	shalt  }
0x57: {  	_ =	shalt  }
0x58: {  	_ =	shalt  }
0x59: {  	_ =	shalt  }
0x5a: {  	_ =	shalt  }
0x5b: {  	_ =	shalt  }
0x5c: {  	_ =	shalt  }
0x5d: {  	_ =	shalt  }
0x5e: {  	_ =	shalt  }
0x5f: {  	_ =	shalt  }
0x60: {  	_ =	shalt  }
0x61: {  	_ =	shalt  }
0x62: {  	_ =	shalt  }
0x63: {  	_ =	shalt  }
0x64: {  	_ =	shalt  }
0x65: {  	_ =	shalt  }
0x66: {  	_ =	shalt  }
0x67: {  	_ =	shalt  }
0x68: {  	_ =	shalt  }
0x69: {  	_ =	shalt  }
0x6a: {  	_ =	shalt  }
0x6b: {  	_ =	shalt  }
0x6c: {  	_ =	shalt  }
0x6d: {  	_ =	shalt  }
0x6e: {  	_ =	shalt  }
0x6f: {  	_ =	shalt  }
0x70: {  	_ =	shalt  }
0x71: {  	_ =	shalt  }
0x72: {  	_ =	shalt  }
0x73: {  	_ =	shalt  }
0x74: {  	_ =	shalt  }
0x75: {  	_ =	shalt  }
0x76: {  	_ =	shalt  }
0x77: {  	_ =	shalt  }
0x78: {  	_ =	shalt  }
0x79: {  	_ =	shalt  }
0x7a: {  	_ =	shalt  }
0x7b: {  	_ =	shalt  }
0x7c: {  	_ =	shalt  }
0x7d: {  	_ =	shalt  }
0x7e: {  	_ =	shalt  }
0x7f: {  	_ =	shalt  }
0x80: {  	_ =	shalt  }
0x81: {  	_ =	shalt  }
0x82: {  	_ =	shalt  }
0x83: {  	_ =	shalt  }
0x84: {  	_ =	shalt  }
0x85: {  	_ =	shalt  }
0x86: {  	_ =	shalt  }
0x87: {  	_ =	shalt  }
.Lfunc_end0:
.L_simem_size_0:
called_computation.1_lowered:
.L_overlay_start_0:
0x88: {  	s2 =	sld [smem:$0x3FD9]  }
0x89: {  	s3 =	sld [smem:$0x3FFE];
	_ =	sdelay $0x1  }
0x8a: {  	s1 =	srdreg.scid  }
0x8b: {  	s0 =	sand.u32 $0x1, s1  }
0x8c: {  	s16 =	sshll.u32 s0, $0xA;
	s2 =	sadd.s32 s3, s2  }
0x8d: {  	s2 =	sadd.s32 s2, s16  }
0x8e: {  	[smem:$0x3FBF] =	sst s2  }
0x8f: {  	_ = 	snop  }
0x90: {  	(tm) =	ssettm $0x1  }
0x91: {  	s17 =	sld [smem:$0x3FFB];
	_ =	sdelay $0x3  }
0x92: {  	_ =	strace s17  }
0x93: {  	s2 =	sld [smem:$0x3FFC];
	_ =	sdelay $0x3  }
0x94: {  	_ =	strace s2  }
0x95: {  	s2 =	sld [smem:$0x3FFD];
	_ =	sdelay $0x3  }
0x96: {  	_ =	strace s2  }
0x97: {  	_ =	strace $0x8FFFFFFF  }
0x98: {  	s18 =	sld [smem:$0x3FDB];
	_ =	sdelay $0x1  }
0x99: {  	s19 =	simm.s32 $_scs_section_size  }
0x9a: {  	s4 =	simm.s32 $_size__tile_overlayer_lowered;
	s5 =	simm.s32 $_tile_overlayer_lowered  }
0x9b: {  	s22 =	simm.s32 $0x1BFF;
	s21 =	sshll.u32 s5, $0x1;
	s2 =	sadd.s32 s19, s18  }
0x9c: {  	s6 =	simm.s32 $0x0;
	s20 =	sshll.u32 s4, $0x1;
	s4 =	sadd.s32 s21, s2  }
0x9d: {  	[timem:s6], [sflag:s22] =	dma.local [hbm:s4], s20  }
0x9e: {  	_ =	swait.ge [sflag:s22], s20  }
0x9f: {  	s3 =	ssub.s32 $0x0, s20;
	[sflag:s22] =	ssyncset.done $0x0  }
0xa0: {  	[sflag:s22] =	ssyncadd.s32 s3;
	_ =	sdelay $0x1  }
0xa1: {  	s23 =	simm.s32 $0x1B8B  }
0xa2: {  	_ =	swait.ge [sflag:s23], $0x1  }
0xa3: {  	[sflag:s23] =	ssyncset.done $0x0  }
0xa4: {  	s25 =	simm.s32 $0x1B8E;
	s24 =	sld [smem:$0x3FFE];
	[sflag:s23] =	ssyncadd.s32 $0xFFFFFFFF  }
0xa5: {  	s26 =	simm.s32 $execute0_lowered;
	[smem:$0x3FD2] =	sst s25  }
0xa6: {  	s4 =	sshll.u32 s26, $0x1;
	_ =	strace $0x80000049;
	[dreg:$0x1] =	wrdreg $0xFFFFFFFF  }
0xa7: {  	s28 =	simm.s32 $_size_execute0_lowered;
	s2 =	sadd.s32 s2, s4;
	[dreg:$0x0] =	wrdreg $0x0  }
0xa8: {  	s4 =	sshll.u32 s28, $0x1;
	[dreg:$0x2] =	wrdreg s2  }
0xa9: {  	[dreg:$0x3] =	wrdreg s4  }
0xaa: {  	[dreg:$0x4] =	wrdreg $0xC0  }
0xab: {  	_ =	task [dreg:s6], $0x5FFFF  }
0xac: {  	[dreg:$0x1] =	wrdreg $0xFFFFFFFF  }
0xad: {  	[dreg:$0x0] =	wrdreg $0x60  }
0xae: {  	[dreg:$0x2] =	wrdreg s24  }
0xaf: {  	[dreg:$0x3] =	wrdreg $0x158000  }
0xb0: {  	[dreg:$0x4] =	wrdreg $0x9  }
0xb1: {  	_ =	task.clear_ibuf [dreg:s6], $0x5FFFF;
	_ =	strace $0x90000049  }
0xb2: {  	s29 =	simm.s32 $0x9;
	_ =	strace $0x8000004B  }
0xb3: {  	_ =	swait.ge [sflag:s29], $0x1  }
0xb4: {  	[sflag:s29] =	ssyncadd.s32 $0xFFFFFFFF  }
0xb5: {  	_ =	strace $0x9000004B  }
0xb6: {  	_ =	sfence  }
0xb7: {  	s30 =	sld [smem:$0x0];
	_ =	sdelay $0x2  }
0xb8: {  	s31 =	sshll.u32 s1, $0xD;
	s1 =	sshrl.u32 s1, $0x2  }
0xb9: {  	s3 =	sand.u32 $0x4000, s31;
	s1 =	sadd.s32 s1, s30  }
0xba: {  	s0 =	sor.u32 s3, s0;
	s1 =	sshll.u32 s1, $0x11  }
0xbb: {  	s0 =	sor.u32 s1, s0  }
0xbc: {  	s0 =	sadd.s32 $0x8F2B, s0  }
0xbd: {  	[sflag:s0] =	ssyncadd.remote.s32 $0x1  }
0xbe: {  	_ =	sfence.sel $0xFFFF  }
0xbf: {  	[dreg:$0x0] =	wrdreg $0xFFFFFFFF;
	(pc) =	sbr.abs _section_cstart, $3  }
0xc0: {  	[dreg:$0x1] =	wrdreg $0xFFFFFFFF  }
0xc1: {  	_ =	task.clear_ibuf [dreg:s6], $0x2FFFF;
	_ =	strace $0x9FFFFFFF  }
0xc2: {  	(tm) =	ssettm $0x7FFFFFFF  }
0xc3: {  	_ =	shalt  }
tec
execute0_lowered:
.L_overlay_start_1:
0x0: {  	(tag) =	ssettag $0x1  }
0x1: {  	s8 =	rddreg [dreg:$0x0]  }
0x2: {  	s2 =	rddreg [dreg:$0x1]  }
0x3: {  	s0 =	rddreg [dreg:$0x2];
	s3 =	simm.s32 $0x0  }
0x4: {  	s1 =	stileid.u32;
	s6 =	srdreg.scid;
	s14 =	simm.s32 $0x5  }
0x5: {  	s15 =	simm.s32 $0x5000;
	s16 =	simm.s32 $0x12000;
	s17 =	simm.s32 $0x80  }
0x6: {  	s18 =	simm.s32 $0xA000;
	s19 =	simm.s32 $0x1;
	s20 =	simm.s32 $0xE000  }
0x7: {  	s21 =	simm.s32 $0x2;
	s22 =	simm.s32 $0x3;
	s23 =	simm.s32 $0x4  }
0x8: {  	s24 =	simm.s32 $0x9F80;
	s25 =	simm.s32 $0x0;
	s5 =	smul.u32 $0xA00, s1  }
0x9: {  	[smem:$0x7FF] =	sst s3;
	s4 =	sadd.s32 $0x2400, s8;
	s12 =	smul.u32 $0xE000, s1  }
0xa: {  	s6 =	sand.u32 $0x1, s6;
	s7 =	sadd.s32 $0xD4400, s8;
	s9 =	smul.u32 $0xA0, s1  }
0xb: {  	_ =	strace $0x8000004A;
	s10 =	ssub.s32 $0x2, s6;
	s11 =	sadd.s32 s5, s8  }
0xc: {  	s5 =	sadd.s32 $0x8E400, s8;
	s8 =	sadd.s32 $0x52400, s8;
	s13 =	sshrl.u32 s10, $0x1  }
0xd: {  	s12 =	sshrl.u32 s12, $0x2;
	s13 =	ssub.s32 s10, s13;
	s10 =	smul.u32 $0x70, s1  }
0xe: {  	s11 =	sadd.s32 $0xCA400, s11;
	s12 =	sadd.s32 s12, s2;
	s13 =	smax.u32 s13, $0x1  }
.LBB2_1:
0xf: {  	[tilespmem:s3], [sflag:$0x5] =	stream.linear.gather [hbm4b:s11+s3], $0x5000, $0x38;
	[tilespmem:$0x19400] =	vst v63  }
0x10: {  	_ =	swait.ge [sflag:s14], $0x5000  }
0x11: {  	[sflag:s14] =	ssyncset.done $0x0  }
0x12: {  	s26 =	simm.s32 $0x0;
	[sflag:s14] =	ssyncadd.s32 $0xFFFFB000  }
.LBB2_2:
0x13: {  	s28 =	sshll.u32 s26, $0x1  }
0x14: {  	s28 =	sor.u32 s6, s28  }
0x15: {  	s29 =	smul.u32 $0xA00, s28;
	_ =	sdelay $0x1  }
0x16: {  	s29 =	sadd.s32 s9, s29  }
0x17: {  	s29 =	sshll.u32 s29, $0x4  }
0x18: {  	s29 =	sadd.s32 s5, s29  }
0x19: {  	[tilespmem:s15], [sflag:$0x5] =	stream.linear.gather [hbm4b:s29+s3], $0x5000, $0x38;
	[tilespmem:$0x19400] =	vst v63  }
0x1a: {  	_ =	swait.ge [sflag:s14], $0x5000  }
0x1b: {  	[sflag:s14] =	ssyncset.done $0x0  }
0x1c: {  	[sflag:s14] =	ssyncadd.s32 $0xFFFFB000  }
0x1d: {  	[tilespmem:s16], [sflag:$0x5] =	stream.linear.gather [hbm4b:s7+s3], $0x3800, $0x38;
	[tilespmem:$0x19400] =	vst v63  }
0x1e: {  	_ =	swait.ge [sflag:s14], $0x3800  }
0x1f: {  	[sflag:s14] =	ssyncset.done $0x0  }
0x20: {  	[sflag:s14] =	ssyncadd.s32 $0xFFFFC800  }
0x21: {  	[spmem:s12] =	stream.linear.scatter [tilespmem:s16], [sflag:$0x5], $0x3800, $0x38;
	[tilespmem:$0x19400] =	vst v63  }
0x22: {  	_ =	swait.ge [sflag:s14], $0x3800  }
0x23: {  	[sflag:s14] =	ssyncset.done $0x0  }
0x24: {  	[sflag:s14] =	ssyncadd.s32 $0xFFFFC800  }
0x25: {  	[bflag:$0x0] =	sbarrier.arrive $0xFFFF  }
0x26: {  	[tilespmem:s18], [sflag:$0x1] =	stream.indirect.gather [hbm4b:s4+s17], $0x80, s3, s17, $0xb8;
	[tilespmem:$0x19400] =	vst v63  }
0x27: {  	_ =	swait.ge [sflag:s19], $0x4000  }
0x28: {  	[sflag:s19] =	ssyncset.done $0x0  }
0x29: {  	[sflag:s19] =	ssyncadd.s32 $0xFFFFC000  }
0x2a: {  	[spmem:s2] =	stream.indirect.scatter.add.f32 [tilespmem:s18], [sflag:$0x3], $0x80, s15, s17, $0xb8;
	[tilespmem:$0x19400] =	vst v63  }
0x2b: {  	_ = 	snop  }
0x2c: {  	[tilespmem:s20], [sflag:$0x2] =	stream.indirect.gather [hbm4b:s4+s17], $0x80, s17, s17, $0xb8;
	[tilespmem:$0x19400] =	vst v63  }
0x2d: {  	_ =	swait.ge [sflag:s21], $0x4000  }
0x2e: {  	[sflag:s21] =	ssyncset.done $0x0  }
0x2f: {  	s29 =	simm.s32 $0x5080;
	[sflag:s21] =	ssyncadd.s32 $0xFFFFC000  }
0x30: {  	[spmem:s2] =	stream.indirect.scatter.add.f32 [tilespmem:s20], [sflag:$0x4], $0x80, s29, s17, $0xb8;
	[tilespmem:$0x19400] =	vst v63  }
0x31: {  	_ =	swait.ge [sflag:s22], $0x4000  }
0x32: {  	[sflag:s22] =	ssyncset.done $0x0  }
0x33: {  	s29 =	simm.s32 $0x100;
	[sflag:s22] =	ssyncadd.s32 $0xFFFFC000  }
0x34: {  	[tilespmem:s18], [sflag:$0x1] =	stream.indirect.gather [hbm4b:s4+s17], $0x80, s29, s17, $0xb8;
	[tilespmem:$0x19400] =	vst v63  }
0x35: {  	_ =	swait.ge [sflag:s19], $0x4000  }
0x36: {  	[sflag:s19] =	ssyncset.done $0x0  }
0x37: {  	s29 =	simm.s32 $0x5100;
	[sflag:s19] =	ssyncadd.s32 $0xFFFFC000  }
0x38: {  	[spmem:s2] =	stream.indirect.scatter.add.f32 [tilespmem:s18], [sflag:$0x3], $0x80, s29, s17, $0xb8;
	[tilespmem:$0x19400] =	vst v63  }
0x39: {  	_ =	swait.ge [sflag:s23], $0x4000  }
0x3a: {  	[sflag:s23] =	ssyncset.done $0x0  }
0x3b: {  	s30 =	simm.s32 $0x180;
	s29 =	simm.s32 $0xFFFEC800;
	[sflag:s23] =	ssyncadd.s32 $0xFFFFC000  }
.LBB2_3:
0x3c: {  	[tilespmem:s20], [sflag:$0x2] =	stream.indirect.gather [hbm4b:s4+s17], $0x80, s30, s17, $0xb8;
	[tilespmem:$0x19400] =	vst v63  }
0x3d: {  	s30 =	smov.u32 s29  }
0x3e: {  	p0 =	sne.s32 s29, $0xFFFFFC00;
	s29 =	sadd.s32 $0x400, s29;
	_ =	swait.ge [sflag:s21], $0x4000  }
0x3f: {  	s30 =	sshra.s32 s30, $0x2;
	[sflag:s21] =	ssyncset.done $0x0  }
0x40: {  	s31 =	sadd.s32 $0x9F80, s30;
	[sflag:s21] =	ssyncadd.s32 $0xFFFFC000  }
0x41: {  	[spmem:s2] =	stream.indirect.scatter.add.f32 [tilespmem:s20], [sflag:$0x4], $0x80, s31, s17, $0xb8;
	[tilespmem:$0x19400] =	vst v63  }
0x42: {  	_ =	swait.ge [sflag:s22], $0x4000  }
0x43: {  	[sflag:s22] =	ssyncset.done $0x0  }
0x44: {  	s31 =	sadd.s32 $0x5000, s30;
	[sflag:s22] =	ssyncadd.s32 $0xFFFFC000  }
0x45: {  	[tilespmem:s18], [sflag:$0x1] =	stream.indirect.gather [hbm4b:s4+s17], $0x80, s31, s17, $0xb8;
	[tilespmem:$0x19400] =	vst v63  }
0x46: {  	_ =	swait.ge [sflag:s19], $0x4000  }
0x47: {  	[sflag:s19] =	ssyncset.done $0x0  }
.Ltmp0:
0x48: {  	s31 =	sadd.s32 $0xA000, s30;
	[sflag:s19] =	ssyncadd.s32 $0xFFFFC000;
	(pc) =	sbr.rel @p0 .LBB2_3-.Ltmp0, $4  }
0x49: {  	[spmem:s2] =	stream.indirect.scatter.add.f32 [tilespmem:s18], [sflag:$0x3], $0x80, s31, s17, $0xb8;
	[tilespmem:$0x19400] =	vst v63  }
0x4a: {  	_ =	swait.ge [sflag:s23], $0x4000  }
0x4b: {  	[sflag:s23] =	ssyncset.done $0x0  }
0x4c: {  	s30 =	sadd.s32 $0x5080, s30;
	[sflag:s23] =	ssyncadd.s32 $0xFFFFC000  }
0x4d: {  	[tilespmem:s20], [sflag:$0x2] =	stream.indirect.gather [hbm4b:s4+s17], $0x80, s30, s17, $0xb8;
	[tilespmem:$0x19400] =	vst v63  }
0x4e: {  	_ =	swait.ge [sflag:s21], $0x4000  }
0x4f: {  	[sflag:s21] =	ssyncset.done $0x0  }
0x50: {  	[sflag:s21] =	ssyncadd.s32 $0xFFFFC000  }
0x51: {  	[spmem:s2] =	stream.indirect.scatter.add.f32 [tilespmem:s20], [sflag:$0x4], $0x80, s24, s17, $0xb8;
	[tilespmem:$0x19400] =	vst v63  }
0x52: {  	_ =	swait.ge [sflag:s22], $0x4000  }
0x53: {  	[sflag:s22] =	ssyncset.done $0x0  }
0x54: {  	[sflag:s22] =	ssyncadd.s32 $0xFFFFC000  }
0x55: {  	_ =	swait.ge [sflag:s23], $0x4000  }
0x56: {  	[sflag:s23] =	ssyncset.done $0x0  }
0x57: {  	[sflag:s23] =	ssyncadd.s32 $0xFFFFC000  }
0x58: {  	s28 =	smul.u32 $0x700, s28;
	[bflag:$0x0] =	sbarrier.arrive $0xFFFF  }
0x59: {  	[tilespmem:s16], [sflag:$0x5] =	stream.linear.gather [spmem:s12], $0x3800, $0x38;
	[tilespmem:$0x19400] =	vst v63  }
0x5a: {  	s26 =	sadd.s32 $0x1, s26;
	s28 =	sadd.s32 s10, s28;
	_ =	swait.ge [sflag:s14], $0x3800  }
0x5b: {  	p0 =	sne.s32 s26, $0x3;
	s28 =	sshll.u32 s28, $0x4;
	[sflag:s14] =	ssyncset.done $0x0  }
.Ltmp1:
0x5c: {  	s28 =	sadd.s32 s8, s28;
	[sflag:s14] =	ssyncadd.s32 $0xFFFFC800;
	(pc) =	sbr.rel @p0 .LBB2_2-.Ltmp1, $4  }
0x5d: {  	[hbm4b:s28+s3] =	stream.linear.scatter [tilespmem:s16], [sflag:$0x5], $0x3800, $0x38;
	[tilespmem:$0x19400] =	vst v63  }
0x5e: {  	_ =	swait.ge [sflag:s14], $0x3800  }
0x5f: {  	[sflag:s14] =	ssyncset.done $0x0  }
0x60: {  	[sflag:s14] =	ssyncadd.s32 $0xFFFFC800  }
0x61: {  	s25 =	sadd.s32 $0x1, s25  }
0x62: {  	p0 =	sne.s32 s25, s13  }
.Ltmp2:
0x63: {  	_ = 	snop;
	(pc) =	sbr.rel @p0 .LBB2_1-.Ltmp2, $1  }
0x64: {  	_ =	sdelay $0x3  }
0x65: {  	_ =	sfence.sel $0x180000  }
0x66: {  	[bflag:$0x0] =	sbarrier.arrive $0xFFFF  }
0x67: {  	p0 =	sne.s32 s1, $0x0;
	_ =	strace $0x9000004A  }
0x68: {  	s0 =	sadd.s32 @!p0 $0x100000, s0;
	[bflag:$0x2] =	sbarrier.arrive $0xFFFF  }
0x69: {  	[sflag:s0] =	ssyncadd.tile.s32 @!p0 $0x1;
	_ =	shalt  }
.Lfunc_end2:
_tile_overlayer_lowered:
.L_overlay_start_2:
0x6a: {  	(tag) =	ssettag $0x2  }
0x6b: {  	s0 =	rddreg [dreg:$0x0];
	s2 =	stileid.u32  }
0x6c: {  	s1 =	rddreg [dreg:$0x1];
	p0 =	sne.s32 s2, $0x0  }
0x6d: {  	s3 =	rddreg [dreg:$0x2];
	[bflag:$0x3] =	sbarrier.arrive $0xFFFF;
	s2 =	simm.s32 @!p0 $0x1C05  }
0x6e: {  	[timem:s3], [sflag:s2] =	dma.local @!p0 [hbm:s0], s1  }
0x6f: {  	s0 =	simm.s32 @!p0 $0x5  }
0x70: {  	_ =	swait.ge @!p0 [sflag:s0], s1  }
0x71: {  	s1 =	ssub.s32 @!p0 $0x0, s1;
	[sflag:s0] =	ssyncset.done @!p0 $0x0  }
0x72: {  	[sflag:s0] =	ssyncadd.s32 @!p0 s1  }
0x73: {  	[bflag:$0x3] =	sbarrier.arrive $0xFFFF  }
0x74: {  	_ =	shalt  }

</sc_bundles>
